<compile_context>
chip_gen: v7x
topology: tpu7x:2x2x1
jax: 0.10.2.dev20260603
libtpu: 0.0.44.dev20260713+nightly
codegen_flags: <defaults>
</compile_context>

<pallas_src>
import functools

import jax
import jax.numpy as jnp
from jax import lax
from jax.experimental import pallas as pl
from jax.experimental.pallas import tpu as pltpu
from jax.experimental.pallas import tpu_sc as plsc

_NC = 2
_NS = 16
_NW = _NC * _NS

_GSZ = 128


@functools.partial(jax.jit, static_argnames=("n_g", "ch", "d"))
def _sc_gather(table2, idx3, n_g, ch, d):
    pack = 128 // d
    n_ch = n_g // ch
    per_w = n_g * _GSZ
    rows_per_ch = ch * _GSZ
    lines_per_ch = rows_per_ch // pack
    mesh = plsc.VectorSubcoreMesh(core_axis_name="c", subcore_axis_name="s")

    @functools.partial(
        pl.kernel,
        out_type=jax.ShapeDtypeStruct((_NW * per_w, d), jnp.float32),
        mesh=mesh,
        compiler_params=pltpu.CompilerParams(use_tc_tiling_on_sc=False),
        scratch_types=[
            pltpu.VMEM((n_g, _GSZ), jnp.int32),
            pltpu.VMEM((rows_per_ch, d), jnp.float32),
            pltpu.VMEM((rows_per_ch, d), jnp.float32),
            pltpu.SemaphoreType.DMA,
            pltpu.SemaphoreType.DMA,
            pltpu.SemaphoreType.DMA,
            pltpu.SemaphoreType.DMA,
        ],
    )
    def k(table_hbm, idx_hbm, out_hbm, idx_v, buf0, buf1, g0, g1, o0, o1):
        table_rows = table_hbm
        wid = lax.axis_index("s") * _NC + lax.axis_index("c")
        base = wid * per_w // pack
        pltpu.sync_copy(idx_hbm.at[wid], idx_v)
        bufs = (buf0, buf1)
        gsems = (g0, g1)
        osems = (o0, o1)

        def fire(c, b):
            for j in range(ch):
                pltpu.async_copy(
                    table_rows.at[idx_v.at[c * ch + j]],
                    bufs[b].at[pl.ds(j * _GSZ, _GSZ)],
                    gsems[b],
                )

        def drain_gathers(b):
            pltpu.make_async_copy(
                out_hbm.at[pl.ds(0, rows_per_ch)],
                bufs[b],
                gsems[b],
            ).wait()

        def out_copy(c, b):
            return pltpu.make_async_copy(
                bufs[b],
                out_hbm.at[pl.ds(base + c * rows_per_ch, rows_per_ch)],
                osems[b],
            )

        fire(0, 0)

        @pl.loop(0, n_ch // 2)
        def _(t):
            for b in range(2):
                c = t * 2 + b
                nb = 1 - b
                drain_gathers(b)
                out_copy(c, b).start()

                @pl.when(c >= 1)
                def _():
                    out_copy(c - 1, nb).wait()

                @pl.when(c + 1 < n_ch)
                def _():
                    fire(c + 1, nb)

        out_copy(n_ch - 1, (n_ch - 1) % 2).wait()

    return k(table2, idx3)


def kernel(x, table):
    if x.ndim != 4:
        raise ValueError(f"TokenEmbedding expects 4D input [B, H, W, C]. Got: {x.shape}")
    V, D = table.shape
    if x.shape[-1] == V:
        idx = jnp.argmax(x, axis=-1).astype(jnp.int32)
    else:
        idx = x.astype(jnp.int32)
    B, H, W = x.shape[0], x.shape[1], x.shape[2]
    N = B * H * W * (1 if x.shape[-1] == V else x.shape[-1])
    flat = idx.reshape(N)

    assert N % (_NW * _GSZ) == 0, (N,)
    assert 128 % D == 0, (D,)
    n_g = N // (_NW * _GSZ)
    ch = 1
    for cand in range(2, 9):
        if n_g % cand == 0 and (n_g // cand) % 2 == 0:
            ch = cand
    idx3 = flat.reshape(_NW, n_g, _GSZ)
    out = _sc_gather(table, idx3, n_g, ch, D)
    return out.reshape(B, H, W, D)

# --- scband reference (transcript-rebuilt; emitter-appended) ---
"""Pipeline reference for scband-token-embedding-36627481100393 (READ-ONLY COPY).

The authoritative reference and input builder live on the scoring server;
editing this copy changes nothing except your own understanding.
"""

import jax, jax.numpy as jnp
import numpy as np

VOCAB_SIZE = 1000000
DIM = 32

def setup_inputs(seed: int = 0) -> dict:
    key = jax.random.key(seed)
    k1, k2 = jax.random.split(key)
    # x: 4D [B, H, W, C] with C=1 (not one-hot), integer token ids
    x = jax.random.randint(k1, (16, 224, 224, 1), 0, VOCAB_SIZE, dtype=jnp.int32)
    # embedding table, keras Embedding default init: uniform(-0.05, 0.05)
    table = jax.random.uniform(k2, (VOCAB_SIZE, DIM), minval=-0.05, maxval=0.05, dtype=jnp.float32)
    return {"x": x, "table": table}

def reference(x, table):
    if x.ndim != 4:
        raise ValueError(f"TokenEmbedding expects 4D input [B, H, W, C]. Got: {x.shape}")
    # tf.cond(last_dim == vocab_size) resolved statically in jax
    if x.shape[-1] == VOCAB_SIZE:
        idx = jnp.argmax(x, axis=-1).astype(jnp.int32)
    else:
        idx = x.astype(jnp.int32)
    B, H, W = x.shape[0], x.shape[1], x.shape[2]
    flat_x = idx.reshape(-1)
    flat_emb = jnp.take(table, flat_x, axis=0)
    output = flat_emb.reshape(B, H, W, DIM)
    return output

if __name__ == "__main__":
    import jax
    _d = setup_inputs()
    print(jax.jit(kernel)(*tuple(_d.values())))

</pallas_src>

<mosaic_0001>
#map = affine_map<(d0, d1) -> (0, 0)>
#map1 = affine_map<(d0, d1) -> (0, 0, 0)>
module attributes {stable_mosaic.version = 14 : i64} {
  func.func @k(%arg0: i32, %arg1: i32, %arg2: memref<1000000x32xf32, #tpu.memory_space<hbm>>, %arg3: memref<32x196x128xi32, #tpu.memory_space<hbm>>, %arg4: memref<802816x32xf32, #tpu.memory_space<hbm>>, %arg5: memref<196x128xi32, #tpu.memory_space<vmem>>, %arg6: memref<896x32xf32, #tpu.memory_space<vmem>>, %arg7: memref<896x32xf32, #tpu.memory_space<vmem>>, %arg8: memref<!tpu.dma_semaphore, #tpu.memory_space<semaphore_mem>>, %arg9: memref<!tpu.dma_semaphore, #tpu.memory_space<semaphore_mem>>, %arg10: memref<!tpu.dma_semaphore, #tpu.memory_space<semaphore_mem>>, %arg11: memref<!tpu.dma_semaphore, #tpu.memory_space<semaphore_mem>>) attributes {dimension_semantics = [#tpu.dimension_semantics<core_parallel>, #tpu.dimension_semantics<subcore_parallel>], iteration_bounds = array<i64: 2, 16>, scalar_prefetch = 0 : i64, scratch_operands = 7 : i64, tpu.core_type = #tpu.core_type<sc_vector_subcore>, window_params = [{transform_indices = #map}, {transform_indices = #map1}, {transform_indices = #map}]} {
    %mul3A = arith.constant 2 : i32
    %mul3A_0 = arith.muli %arg1, %mul3A : i32
    %add3A = arith.addi %mul3A_0, %arg0 : i32
    %mul3A_1 = arith.constant 25088 : i32
    %mul3A_2 = arith.muli %add3A, %mul3A_1 : i32
    %jit3A = arith.constant 4 : i32
    %div3A = arith.divsi %mul3A_2, %jit3A : i32
    %sign3A = arith.constant 0 : i32
    %sign3A_3 = arith.cmpi sgt, %mul3A_2, %sign3A : i32
    %sign3A_4 = arith.extui %sign3A_3 : i1 to i32
    %sign3A_5 = arith.constant 0 : i32
    %sign3A_6 = arith.cmpi slt, %mul3A_2, %sign3A_5 : i32
    %sign3A_7 = arith.extui %sign3A_6 : i1 to i32
    %sign3A_8 = arith.subi %sign3A_4, %sign3A_7 : i32
    %sign3A_9 = arith.constant 0 : i32
    %sign3A_10 = arith.cmpi sgt, %jit3A, %sign3A_9 : i32
    %sign3A_11 = arith.extui %sign3A_10 : i1 to i32
    %sign3A_12 = arith.constant 0 : i32
    %sign3A_13 = arith.cmpi slt, %jit3A, %sign3A_12 : i32
    %sign3A_14 = arith.extui %sign3A_13 : i1 to i32
    %sign3A_15 = arith.subi %sign3A_11, %sign3A_14 : i32
    %ne3A = arith.cmpi ne, %sign3A_8, %sign3A_15 : i32
    %rem3A = arith.remsi %mul3A_2, %jit3A : i32
    %ne3A_16 = arith.constant 0 : i32
    %ne3A_17 = arith.cmpi ne, %rem3A, %ne3A_16 : i32
    %and3A = arith.andi %ne3A, %ne3A_17 : i1
    %sub3A = arith.constant 1 : i32
    %sub3A_18 = arith.subi %div3A, %sub3A : i32
    %select_n3A = arith.select %and3A, %sub3A_18, %div3A : i32
    "tpu.region"() ({
      %run_scoped3A = tpu.sem_alloc : memref<!tpu.dma_semaphore, #tpu.memory_space<semaphore_mem>>
      %dma_start3A_97 = arith.constant 0 : i32
      %dma_start3A_98 = arith.constant 0 : i32
      %dma_start3A_99 = tpu.memref_slice %arg3[%add3A, %dma_start3A_97, %dma_start3A_98] : memref<32x196x128xi32, #tpu.memory_space<hbm>> -> memref<1x196x128xi32, #tpu.memory_space<hbm>>
      %dma_start3A_100 = tpu.memref_squeeze %dma_start3A_99 : memref<1x196x128xi32, #tpu.memory_space<hbm>> -> memref<196x128xi32, #tpu.memory_space<hbm>>
      %dma_start3A_101 = arith.constant 0 : i32
      %dma_start3A_102 = arith.constant 0 : i32
      %dma_start3A_103 = tpu.memref_slice %arg3[%add3A, %dma_start3A_101, %dma_start3A_102] : memref<32x196x128xi32, #tpu.memory_space<hbm>> -> memref<1x196x128xi32, #tpu.memory_space<hbm>>
      %dma_start3A_104 = tpu.memref_squeeze %dma_start3A_103 : memref<1x196x128xi32, #tpu.memory_space<hbm>> -> memref<196x128xi32, #tpu.memory_space<hbm>>
      tpu.enqueue_dma source(%dma_start3A_104 : memref<196x128xi32, #tpu.memory_space<hbm>>) target(%arg5 : memref<196x128xi32, #tpu.memory_space<vmem>>) target_semaphore(%run_scoped3A : memref<!tpu.dma_semaphore, #tpu.memory_space<semaphore_mem>>)
      %dma_wait3A_105 = arith.constant 0 : i32
      %dma_wait3A_106 = arith.constant 0 : i32
      %dma_wait3A_107 = tpu.memref_slice %arg3[%add3A, %dma_wait3A_105, %dma_wait3A_106] : memref<32x196x128xi32, #tpu.memory_space<hbm>> -> memref<1x196x128xi32, #tpu.memory_space<hbm>>
      %dma_wait3A_108 = tpu.memref_squeeze %dma_wait3A_107 : memref<1x196x128xi32, #tpu.memory_space<hbm>> -> memref<196x128xi32, #tpu.memory_space<hbm>>
      %dma_wait3A_109 = arith.constant 0 : i32
      %dma_wait3A_110 = arith.constant 0 : i32
      %dma_wait3A_111 = tpu.memref_slice %arg3[%add3A, %dma_wait3A_109, %dma_wait3A_110] : memref<32x196x128xi32, #tpu.memory_space<hbm>> -> memref<1x196x128xi32, #tpu.memory_space<hbm>>
      %dma_wait3A_112 = tpu.memref_squeeze %dma_wait3A_111 : memref<1x196x128xi32, #tpu.memory_space<hbm>> -> memref<196x128xi32, #tpu.memory_space<hbm>>
      tpu.wait_dma2 semaphore(%run_scoped3A : memref<!tpu.dma_semaphore, #tpu.memory_space<semaphore_mem>>) src(%dma_wait3A_112 : memref<196x128xi32, #tpu.memory_space<hbm>>) dst(%arg5 : memref<196x128xi32, #tpu.memory_space<vmem>>)
      tpu.yield
    }) : () -> ()
    %dma_start3A = arith.constant 0 : i32
    %dma_start3A_19 = arith.constant 0 : i32
    %dma_start3A_20 = arith.constant 0 : i32
    %dma_start3A_21 = tpu.memref_slice %arg6[%dma_start3A_19, %dma_start3A_20] : memref<896x32xf32, #tpu.memory_space<vmem>> -> memref<128x32xf32, #tpu.memory_space<vmem>>
    %dma_start3A_22 = arith.constant 0 : i32
    %dma_start3A_23 = tpu.memref_slice %arg5[%dma_start3A, %dma_start3A_22] : memref<196x128xi32, #tpu.memory_space<vmem>> -> memref<1x128xi32, #tpu.memory_space<vmem>>
    %dma_start3A_24 = tpu.memref_squeeze %dma_start3A_23 : memref<1x128xi32, #tpu.memory_space<vmem>> -> memref<128xi32, #tpu.memory_space<vmem>>
    %dma_start3A_25 = arith.constant 0 : i32
    %dma_start3A_26 = arith.constant 0 : i32
    %dma_start3A_27 = tpu.memref_slice %arg2[%dma_start3A_25, %dma_start3A_26] : memref<1000000x32xf32, #tpu.memory_space<hbm>> -> memref<1000000x32xf32, #tpu.memory_space<hbm>>
    tpu.enqueue_indirect_dma source(%dma_start3A_27 : memref<1000000x32xf32, #tpu.memory_space<hbm>>) target(%dma_start3A_21 : memref<128x32xf32, #tpu.memory_space<vmem>>) offsets(%dma_start3A_24 : memref<128xi32, #tpu.memory_space<vmem>>) semaphore(%arg8 : memref<!tpu.dma_semaphore, #tpu.memory_space<semaphore_mem>>)
    %dma_start3A_28 = arith.constant 1 : i32
    %dma_start3A_29 = arith.constant 128 : i32
    %dma_start3A_30 = arith.constant 0 : i32
    %dma_start3A_31 = tpu.memref_slice %arg6[%dma_start3A_29, %dma_start3A_30] : memref<896x32xf32, #tpu.memory_space<vmem>> -> memref<128x32xf32, #tpu.memory_space<vmem>>
    %dma_start3A_32 = arith.constant 0 : i32
    %dma_start3A_33 = tpu.memref_slice %arg5[%dma_start3A_28, %dma_start3A_32] : memref<196x128xi32, #tpu.memory_space<vmem>> -> memref<1x128xi32, #tpu.memory_space<vmem>>
    %dma_start3A_34 = tpu.memref_squeeze %dma_start3A_33 : memref<1x128xi32, #tpu.memory_space<vmem>> -> memref<128xi32, #tpu.memory_space<vmem>>
    %dma_start3A_35 = arith.constant 0 : i32
    %dma_start3A_36 = arith.constant 0 : i32
    %dma_start3A_37 = tpu.memref_slice %arg2[%dma_start3A_35, %dma_start3A_36] : memref<1000000x32xf32, #tpu.memory_space<hbm>> -> memref<1000000x32xf32, #tpu.memory_space<hbm>>
    tpu.enqueue_indirect_dma source(%dma_start3A_37 : memref<1000000x32xf32, #tpu.memory_space<hbm>>) target(%dma_start3A_31 : memref<128x32xf32, #tpu.memory_space<vmem>>) offsets(%dma_start3A_34 : memref<128xi32, #tpu.memory_space<vmem>>) semaphore(%arg8 : memref<!tpu.dma_semaphore, #tpu.memory_space<semaphore_mem>>)
    %dma_start3A_38 = arith.constant 2 : i32
    %dma_start3A_39 = arith.constant 256 : i32
    %dma_start3A_40 = arith.constant 0 : i32
    %dma_start3A_41 = tpu.memref_slice %arg6[%dma_start3A_39, %dma_start3A_40] : memref<896x32xf32, #tpu.memory_space<vmem>> -> memref<128x32xf32, #tpu.memory_space<vmem>>
    %dma_start3A_42 = arith.constant 0 : i32
    %dma_start3A_43 = tpu.memref_slice %arg5[%dma_start3A_38, %dma_start3A_42] : memref<196x128xi32, #tpu.memory_space<vmem>> -> memref<1x128xi32, #tpu.memory_space<vmem>>
    %dma_start3A_44 = tpu.memref_squeeze %dma_start3A_43 : memref<1x128xi32, #tpu.memory_space<vmem>> -> memref<128xi32, #tpu.memory_space<vmem>>
    %dma_start3A_45 = arith.constant 0 : i32
    %dma_start3A_46 = arith.constant 0 : i32
    %dma_start3A_47 = tpu.memref_slice %arg2[%dma_start3A_45, %dma_start3A_46] : memref<1000000x32xf32, #tpu.memory_space<hbm>> -> memref<1000000x32xf32, #tpu.memory_space<hbm>>
    tpu.enqueue_indirect_dma source(%dma_start3A_47 : memref<1000000x32xf32, #tpu.memory_space<hbm>>) target(%dma_start3A_41 : memref<128x32xf32, #tpu.memory_space<vmem>>) offsets(%dma_start3A_44 : memref<128xi32, #tpu.memory_space<vmem>>) semaphore(%arg8 : memref<!tpu.dma_semaphore, #tpu.memory_space<semaphore_mem>>)
    %dma_start3A_48 = arith.constant 3 : i32
    %dma_start3A_49 = arith.constant 384 : i32
    %dma_start3A_50 = arith.constant 0 : i32
    %dma_start3A_51 = tpu.memref_slice %arg6[%dma_start3A_49, %dma_start3A_50] : memref<896x32xf32, #tpu.memory_space<vmem>> -> memref<128x32xf32, #tpu.memory_space<vmem>>
    %dma_start3A_52 = arith.constant 0 : i32
    %dma_start3A_53 = tpu.memref_slice %arg5[%dma_start3A_48, %dma_start3A_52] : memref<196x128xi32, #tpu.memory_space<vmem>> -> memref<1x128xi32, #tpu.memory_space<vmem>>
    %dma_start3A_54 = tpu.memref_squeeze %dma_start3A_53 : memref<1x128xi32, #tpu.memory_space<vmem>> -> memref<128xi32, #tpu.memory_space<vmem>>
    %dma_start3A_55 = arith.constant 0 : i32
    %dma_start3A_56 = arith.constant 0 : i32
    %dma_start3A_57 = tpu.memref_slice %arg2[%dma_start3A_55, %dma_start3A_56] : memref<1000000x32xf32, #tpu.memory_space<hbm>> -> memref<1000000x32xf32, #tpu.memory_space<hbm>>
    tpu.enqueue_indirect_dma source(%dma_start3A_57 : memref<1000000x32xf32, #tpu.memory_space<hbm>>) target(%dma_start3A_51 : memref<128x32xf32, #tpu.memory_space<vmem>>) offsets(%dma_start3A_54 : memref<128xi32, #tpu.memory_space<vmem>>) semaphore(%arg8 : memref<!tpu.dma_semaphore, #tpu.memory_space<semaphore_mem>>)
    %dma_start3A_58 = arith.constant 4 : i32
    %dma_start3A_59 = arith.constant 512 : i32
    %dma_start3A_60 = arith.constant 0 : i32
    %dma_start3A_61 = tpu.memref_slice %arg6[%dma_start3A_59, %dma_start3A_60] : memref<896x32xf32, #tpu.memory_space<vmem>> -> memref<128x32xf32, #tpu.memory_space<vmem>>
    %dma_start3A_62 = arith.constant 0 : i32
    %dma_start3A_63 = tpu.memref_slice %arg5[%dma_start3A_58, %dma_start3A_62] : memref<196x128xi32, #tpu.memory_space<vmem>> -> memref<1x128xi32, #tpu.memory_space<vmem>>
    %dma_start3A_64 = tpu.memref_squeeze %dma_start3A_63 : memref<1x128xi32, #tpu.memory_space<vmem>> -> memref<128xi32, #tpu.memory_space<vmem>>
    %dma_start3A_65 = arith.constant 0 : i32
    %dma_start3A_66 = arith.constant 0 : i32
    %dma_start3A_67 = tpu.memref_slice %arg2[%dma_start3A_65, %dma_start3A_66] : memref<1000000x32xf32, #tpu.memory_space<hbm>> -> memref<1000000x32xf32, #tpu.memory_space<hbm>>
    tpu.enqueue_indirect_dma source(%dma_start3A_67 : memref<1000000x32xf32, #tpu.memory_space<hbm>>) target(%dma_start3A_61 : memref<128x32xf32, #tpu.memory_space<vmem>>) offsets(%dma_start3A_64 : memref<128xi32, #tpu.memory_space<vmem>>) semaphore(%arg8 : memref<!tpu.dma_semaphore, #tpu.memory_space<semaphore_mem>>)
    %dma_start3A_68 = arith.constant 5 : i32
    %dma_start3A_69 = arith.constant 640 : i32
    %dma_start3A_70 = arith.constant 0 : i32
    %dma_start3A_71 = tpu.memref_slice %arg6[%dma_start3A_69, %dma_start3A_70] : memref<896x32xf32, #tpu.memory_space<vmem>> -> memref<128x32xf32, #tpu.memory_space<vmem>>
    %dma_start3A_72 = arith.constant 0 : i32
    %dma_start3A_73 = tpu.memref_slice %arg5[%dma_start3A_68, %dma_start3A_72] : memref<196x128xi32, #tpu.memory_space<vmem>> -> memref<1x128xi32, #tpu.memory_space<vmem>>
    %dma_start3A_74 = tpu.memref_squeeze %dma_start3A_73 : memref<1x128xi32, #tpu.memory_space<vmem>> -> memref<128xi32, #tpu.memory_space<vmem>>
    %dma_start3A_75 = arith.constant 0 : i32
    %dma_start3A_76 = arith.constant 0 : i32
    %dma_start3A_77 = tpu.memref_slice %arg2[%dma_start3A_75, %dma_start3A_76] : memref<1000000x32xf32, #tpu.memory_space<hbm>> -> memref<1000000x32xf32, #tpu.memory_space<hbm>>
    tpu.enqueue_indirect_dma source(%dma_start3A_77 : memref<1000000x32xf32, #tpu.memory_space<hbm>>) target(%dma_start3A_71 : memref<128x32xf32, #tpu.memory_space<vmem>>) offsets(%dma_start3A_74 : memref<128xi32, #tpu.memory_space<vmem>>) semaphore(%arg8 : memref<!tpu.dma_semaphore, #tpu.memory_space<semaphore_mem>>)
    %dma_start3A_78 = arith.constant 6 : i32
    %dma_start3A_79 = arith.constant 768 : i32
    %dma_start3A_80 = arith.constant 0 : i32
    %dma_start3A_81 = tpu.memref_slice %arg6[%dma_start3A_79, %dma_start3A_80] : memref<896x32xf32, #tpu.memory_space<vmem>> -> memref<128x32xf32, #tpu.memory_space<vmem>>
    %dma_start3A_82 = arith.constant 0 : i32
    %dma_start3A_83 = tpu.memref_slice %arg5[%dma_start3A_78, %dma_start3A_82] : memref<196x128xi32, #tpu.memory_space<vmem>> -> memref<1x128xi32, #tpu.memory_space<vmem>>
    %dma_start3A_84 = tpu.memref_squeeze %dma_start3A_83 : memref<1x128xi32, #tpu.memory_space<vmem>> -> memref<128xi32, #tpu.memory_space<vmem>>
    %dma_start3A_85 = arith.constant 0 : i32
    %dma_start3A_86 = arith.constant 0 : i32
    %dma_start3A_87 = tpu.memref_slice %arg2[%dma_start3A_85, %dma_start3A_86] : memref<1000000x32xf32, #tpu.memory_space<hbm>> -> memref<1000000x32xf32, #tpu.memory_space<hbm>>
    tpu.enqueue_indirect_dma source(%dma_start3A_87 : memref<1000000x32xf32, #tpu.memory_space<hbm>>) target(%dma_start3A_81 : memref<128x32xf32, #tpu.memory_space<vmem>>) offsets(%dma_start3A_84 : memref<128xi32, #tpu.memory_space<vmem>>) semaphore(%arg8 : memref<!tpu.dma_semaphore, #tpu.memory_space<semaphore_mem>>)
    %scan3A = arith.constant 0 : i32
    %scan3A_88 = arith.constant 14 : i32
    %scan3A_89 = arith.addi %scan3A, %scan3A_88 : i32
    %scan3A_90 = arith.constant 1 : i32
    scf.for %scan3A_97 = %scan3A to %scan3A_89 step %scan3A_90  : i32 {
      %mul3A_98 = arith.constant 1 : i32
      %mul3A_99 = arith.muli %scan3A_97, %mul3A_98 : i32
      %add3A_100 = arith.constant 0 : i32
      %add3A_101 = arith.addi %add3A_100, %mul3A_99 : i32
      %mul3A_102 = arith.constant 2 : i32
      %mul3A_103 = arith.muli %add3A_101, %mul3A_102 : i32
      %add3A_104 = arith.constant 0 : i32
      %add3A_105 = arith.addi %mul3A_103, %add3A_104 : i32
      %dma_wait3A_106 = arith.constant 0 : i32
      %dma_wait3A_107 = arith.constant 0 : i32
      %dma_wait3A_108 = tpu.memref_slice %arg4[%dma_wait3A_106, %dma_wait3A_107] : memref<802816x32xf32, #tpu.memory_space<hbm>> -> memref<896x32xf32, #tpu.memory_space<hbm>>
      %dma_wait3A_109 = arith.constant 0 : i32
      %dma_wait3A_110 = arith.constant 0 : i32
      %dma_wait3A_111 = tpu.memref_slice %arg4[%dma_wait3A_109, %dma_wait3A_110] : memref<802816x32xf32, #tpu.memory_space<hbm>> -> memref<896x32xf32, #tpu.memory_space<hbm>>
      tpu.wait_dma2 semaphore(%arg8 : memref<!tpu.dma_semaphore, #tpu.memory_space<semaphore_mem>>) src(%dma_wait3A_111 : memref<896x32xf32, #tpu.memory_space<hbm>>) dst(%arg6 : memref<896x32xf32, #tpu.memory_space<vmem>>)
      %mul3A_112 = arith.constant 896 : i32
      %mul3A_113 = arith.muli %add3A_105, %mul3A_112 : i32
      %add3A_114 = arith.addi %select_n3A, %mul3A_113 : i32
      %dma_start3A_115 = arith.constant 0 : i32
      %dma_start3A_116 = tpu.memref_slice %arg4[%add3A_114, %dma_start3A_115] : memref<802816x32xf32, #tpu.memory_space<hbm>> -> memref<896x32xf32, #tpu.memory_space<hbm>>
      %dma_start3A_117 = arith.constant 0 : i32
      %dma_start3A_118 = tpu.memref_slice %arg4[%add3A_114, %dma_start3A_117] : memref<802816x32xf32, #tpu.memory_space<hbm>> -> memref<896x32xf32, #tpu.memory_space<hbm>>
      tpu.enqueue_dma source(%arg6 : memref<896x32xf32, #tpu.memory_space<vmem>>) target(%dma_start3A_118 : memref<896x32xf32, #tpu.memory_space<hbm>>) target_semaphore(%arg10 : memref<!tpu.dma_semaphore, #tpu.memory_space<semaphore_mem>>)
      %ge3A = arith.constant 1 : i32
      %ge3A_119 = arith.cmpi sge, %add3A_105, %ge3A : i32
      %convert_element_type3A = arith.extui %ge3A_119 : i1 to i32
      %cond3A = arith.constant 0 : i32
      %cond3A_120 = arith.cmpi ne, %convert_element_type3A, %cond3A : i32
      scf.if %cond3A_120 {
        %sub3A_156 = arith.constant 1 : i32
        %sub3A_157 = arith.subi %add3A_105, %sub3A_156 : i32
        %mul3A_158 = arith.constant 896 : i32
        %mul3A_159 = arith.muli %sub3A_157, %mul3A_158 : i32
        %add3A_160 = arith.addi %select_n3A, %mul3A_159 : i32
        %dma_wait3A_161 = arith.constant 0 : i32
        %dma_wait3A_162 = tpu.memref_slice %arg4[%add3A_160, %dma_wait3A_161] : memref<802816x32xf32, #tpu.memory_space<hbm>> -> memref<896x32xf32, #tpu.memory_space<hbm>>
        %dma_wait3A_163 = arith.constant 0 : i32
        %dma_wait3A_164 = tpu.memref_slice %arg4[%add3A_160, %dma_wait3A_163] : memref<802816x32xf32, #tpu.memory_space<hbm>> -> memref<896x32xf32, #tpu.memory_space<hbm>>
        tpu.wait_dma2 semaphore(%arg11 : memref<!tpu.dma_semaphore, #tpu.memory_space<semaphore_mem>>) src(%arg7 : memref<896x32xf32, #tpu.memory_space<vmem>>) dst(%dma_wait3A_164 : memref<896x32xf32, #tpu.memory_space<hbm>>)
      } else {
      }
      %add3A_121 = arith.constant 1 : i32
      %add3A_122 = arith.addi %add3A_105, %add3A_121 : i32
      %lt3A = arith.constant 28 : i32
      %lt3A_123 = arith.cmpi slt, %add3A_122, %lt3A : i32
      %convert_element_type3A_124 = arith.extui %lt3A_123 : i1 to i32
      %cond3A_125 = arith.constant 0 : i32
      %cond3A_126 = arith.cmpi ne, %convert_element_type3A_124, %cond3A_125 : i32
      scf.if %cond3A_126 {
        %add3A_156 = arith.constant 1 : i32
        %add3A_157 = arith.addi %add3A_105, %add3A_156 : i32
        %mul3A_158 = arith.constant 7 : i32
        %mul3A_159 = arith.muli %add3A_157, %mul3A_158 : i32
        %add3A_160 = arith.constant 0 : i32
        %add3A_161 = arith.addi %mul3A_159, %add3A_160 : i32
        %dma_start3A_162 = arith.constant 0 : i32
        %dma_start3A_163 = arith.constant 0 : i32
        %dma_start3A_164 = tpu.memref_slice %arg7[%dma_start3A_162, %dma_start3A_163] : memref<896x32xf32, #tpu.memory_space<vmem>> -> memref<128x32xf32, #tpu.memory_space<vmem>>
        %dma_start3A_165 = arith.constant 0 : i32
        %dma_start3A_166 = tpu.memref_slice %arg5[%add3A_161, %dma_start3A_165] : memref<196x128xi32, #tpu.memory_space<vmem>> -> memref<1x128xi32, #tpu.memory_space<vmem>>
        %dma_start3A_167 = tpu.memref_squeeze %dma_start3A_166 : memref<1x128xi32, #tpu.memory_space<vmem>> -> memref<128xi32, #tpu.memory_space<vmem>>
        %dma_start3A_168 = arith.constant 0 : i32
        %dma_start3A_169 = arith.constant 0 : i32
        %dma_start3A_170 = tpu.memref_slice %arg2[%dma_start3A_168, %dma_start3A_169] : memref<1000000x32xf32, #tpu.memory_space<hbm>> -> memref<1000000x32xf32, #tpu.memory_space<hbm>>
        tpu.enqueue_indirect_dma source(%dma_start3A_170 : memref<1000000x32xf32, #tpu.memory_space<hbm>>) target(%dma_start3A_164 : memref<128x32xf32, #tpu.memory_space<vmem>>) offsets(%dma_start3A_167 : memref<128xi32, #tpu.memory_space<vmem>>) semaphore(%arg9 : memref<!tpu.dma_semaphore, #tpu.memory_space<semaphore_mem>>)
        %mul3A_171 = arith.constant 7 : i32
        %mul3A_172 = arith.muli %add3A_157, %mul3A_171 : i32
        %add3A_173 = arith.constant 1 : i32
        %add3A_174 = arith.addi %mul3A_172, %add3A_173 : i32
        %dma_start3A_175 = arith.constant 128 : i32
        %dma_start3A_176 = arith.constant 0 : i32
        %dma_start3A_177 = tpu.memref_slice %arg7[%dma_start3A_175, %dma_start3A_176] : memref<896x32xf32, #tpu.memory_space<vmem>> -> memref<128x32xf32, #tpu.memory_space<vmem>>
        %dma_start3A_178 = arith.constant 0 : i32
        %dma_start3A_179 = tpu.memref_slice %arg5[%add3A_174, %dma_start3A_178] : memref<196x128xi32, #tpu.memory_space<vmem>> -> memref<1x128xi32, #tpu.memory_space<vmem>>
        %dma_start3A_180 = tpu.memref_squeeze %dma_start3A_179 : memref<1x128xi32, #tpu.memory_space<vmem>> -> memref<128xi32, #tpu.memory_space<vmem>>
        %dma_start3A_181 = arith.constant 0 : i32
        %dma_start3A_182 = arith.constant 0 : i32
        %dma_start3A_183 = tpu.memref_slice %arg2[%dma_start3A_181, %dma_start3A_182] : memref<1000000x32xf32, #tpu.memory_space<hbm>> -> memref<1000000x32xf32, #tpu.memory_space<hbm>>
        tpu.enqueue_indirect_dma source(%dma_start3A_183 : memref<1000000x32xf32, #tpu.memory_space<hbm>>) target(%dma_start3A_177 : memref<128x32xf32, #tpu.memory_space<vmem>>) offsets(%dma_start3A_180 : memref<128xi32, #tpu.memory_space<vmem>>) semaphore(%arg9 : memref<!tpu.dma_semaphore, #tpu.memory_space<semaphore_mem>>)
        %mul3A_184 = arith.constant 7 : i32
        %mul3A_185 = arith.muli %add3A_157, %mul3A_184 : i32
        %add3A_186 = arith.constant 2 : i32
        %add3A_187 = arith.addi %mul3A_185, %add3A_186 : i32
        %dma_start3A_188 = arith.constant 256 : i32
        %dma_start3A_189 = arith.constant 0 : i32
        %dma_start3A_190 = tpu.memref_slice %arg7[%dma_start3A_188, %dma_start3A_189] : memref<896x32xf32, #tpu.memory_space<vmem>> -> memref<128x32xf32, #tpu.memory_space<vmem>>
        %dma_start3A_191 = arith.constant 0 : i32
        %dma_start3A_192 = tpu.memref_slice %arg5[%add3A_187, %dma_start3A_191] : memref<196x128xi32, #tpu.memory_space<vmem>> -> memref<1x128xi32, #tpu.memory_space<vmem>>
        %dma_start3A_193 = tpu.memref_squeeze %dma_start3A_192 : memref<1x128xi32, #tpu.memory_space<vmem>> -> memref<128xi32, #tpu.memory_space<vmem>>
        %dma_start3A_194 = arith.constant 0 : i32
        %dma_start3A_195 = arith.constant 0 : i32
        %dma_start3A_196 = tpu.memref_slice %arg2[%dma_start3A_194, %dma_start3A_195] : memref<1000000x32xf32, #tpu.memory_space<hbm>> -> memref<1000000x32xf32, #tpu.memory_space<hbm>>
        tpu.enqueue_indirect_dma source(%dma_start3A_196 : memref<1000000x32xf32, #tpu.memory_space<hbm>>) target(%dma_start3A_190 : memref<128x32xf32, #tpu.memory_space<vmem>>) offsets(%dma_start3A_193 : memref<128xi32, #tpu.memory_space<vmem>>) semaphore(%arg9 : memref<!tpu.dma_semaphore, #tpu.memory_space<semaphore_mem>>)
        %mul3A_197 = arith.constant 7 : i32
        %mul3A_198 = arith.muli %add3A_157, %mul3A_197 : i32
        %add3A_199 = arith.constant 3 : i32
        %add3A_200 = arith.addi %mul3A_198, %add3A_199 : i32
        %dma_start3A_201 = arith.constant 384 : i32
        %dma_start3A_202 = arith.constant 0 : i32
        %dma_start3A_203 = tpu.memref_slice %arg7[%dma_start3A_201, %dma_start3A_202] : memref<896x32xf32, #tpu.memory_space<vmem>> -> memref<128x32xf32, #tpu.memory_space<vmem>>
        %dma_start3A_204 = arith.constant 0 : i32
        %dma_start3A_205 = tpu.memref_slice %arg5[%add3A_200, %dma_start3A_204] : memref<196x128xi32, #tpu.memory_space<vmem>> -> memref<1x128xi32, #tpu.memory_space<vmem>>
        %dma_start3A_206 = tpu.memref_squeeze %dma_start3A_205 : memref<1x128xi32, #tpu.memory_space<vmem>> -> memref<128xi32, #tpu.memory_space<vmem>>
        %dma_start3A_207 = arith.constant 0 : i32
        %dma_start3A_208 = arith.constant 0 : i32
        %dma_start3A_209 = tpu.memref_slice %arg2[%dma_start3A_207, %dma_start3A_208] : memref<1000000x32xf32, #tpu.memory_space<hbm>> -> memref<1000000x32xf32, #tpu.memory_space<hbm>>
        tpu.enqueue_indirect_dma source(%dma_start3A_209 : memref<1000000x32xf32, #tpu.memory_space<hbm>>) target(%dma_start3A_203 : memref<128x32xf32, #tpu.memory_space<vmem>>) offsets(%dma_start3A_206 : memref<128xi32, #tpu.memory_space<vmem>>) semaphore(%arg9 : memref<!tpu.dma_semaphore, #tpu.memory_space<semaphore_mem>>)
        %mul3A_210 = arith.constant 7 : i32
        %mul3A_211 = arith.muli %add3A_157, %mul3A_210 : i32
        %add3A_212 = arith.constant 4 : i32
        %add3A_213 = arith.addi %mul3A_211, %add3A_212 : i32
        %dma_start3A_214 = arith.constant 512 : i32
        %dma_start3A_215 = arith.constant 0 : i32
        %dma_start3A_216 = tpu.memref_slice %arg7[%dma_start3A_214, %dma_start3A_215] : memref<896x32xf32, #tpu.memory_space<vmem>> -> memref<128x32xf32, #tpu.memory_space<vmem>>
        %dma_start3A_217 = arith.constant 0 : i32
        %dma_start3A_218 = tpu.memref_slice %arg5[%add3A_213, %dma_start3A_217] : memref<196x128xi32, #tpu.memory_space<vmem>> -> memref<1x128xi32, #tpu.memory_space<vmem>>
        %dma_start3A_219 = tpu.memref_squeeze %dma_start3A_218 : memref<1x128xi32, #tpu.memory_space<vmem>> -> memref<128xi32, #tpu.memory_space<vmem>>
        %dma_start3A_220 = arith.constant 0 : i32
        %dma_start3A_221 = arith.constant 0 : i32
        %dma_start3A_222 = tpu.memref_slice %arg2[%dma_start3A_220, %dma_start3A_221] : memref<1000000x32xf32, #tpu.memory_space<hbm>> -> memref<1000000x32xf32, #tpu.memory_space<hbm>>
        tpu.enqueue_indirect_dma source(%dma_start3A_222 : memref<1000000x32xf32, #tpu.memory_space<hbm>>) target(%dma_start3A_216 : memref<128x32xf32, #tpu.memory_space<vmem>>) offsets(%dma_start3A_219 : memref<128xi32, #tpu.memory_space<vmem>>) semaphore(%arg9 : memref<!tpu.dma_semaphore, #tpu.memory_space<semaphore_mem>>)
        %mul3A_223 = arith.constant 7 : i32
        %mul3A_224 = arith.muli %add3A_157, %mul3A_223 : i32
        %add3A_225 = arith.constant 5 : i32
        %add3A_226 = arith.addi %mul3A_224, %add3A_225 : i32
        %dma_start3A_227 = arith.constant 640 : i32
        %dma_start3A_228 = arith.constant 0 : i32
        %dma_start3A_229 = tpu.memref_slice %arg7[%dma_start3A_227, %dma_start3A_228] : memref<896x32xf32, #tpu.memory_space<vmem>> -> memref<128x32xf32, #tpu.memory_space<vmem>>
        %dma_start3A_230 = arith.constant 0 : i32
        %dma_start3A_231 = tpu.memref_slice %arg5[%add3A_226, %dma_start3A_230] : memref<196x128xi32, #tpu.memory_space<vmem>> -> memref<1x128xi32, #tpu.memory_space<vmem>>
        %dma_start3A_232 = tpu.memref_squeeze %dma_start3A_231 : memref<1x128xi32, #tpu.memory_space<vmem>> -> memref<128xi32, #tpu.memory_space<vmem>>
        %dma_start3A_233 = arith.constant 0 : i32
        %dma_start3A_234 = arith.constant 0 : i32
        %dma_start3A_235 = tpu.memref_slice %arg2[%dma_start3A_233, %dma_start3A_234] : memref<1000000x32xf32, #tpu.memory_space<hbm>> -> memref<1000000x32xf32, #tpu.memory_space<hbm>>
        tpu.enqueue_indirect_dma source(%dma_start3A_235 : memref<1000000x32xf32, #tpu.memory_space<hbm>>) target(%dma_start3A_229 : memref<128x32xf32, #tpu.memory_space<vmem>>) offsets(%dma_start3A_232 : memref<128xi32, #tpu.memory_space<vmem>>) semaphore(%arg9 : memref<!tpu.dma_semaphore, #tpu.memory_space<semaphore_mem>>)
        %mul3A_236 = arith.constant 7 : i32
        %mul3A_237 = arith.muli %add3A_157, %mul3A_236 : i32
        %add3A_238 = arith.constant 6 : i32
        %add3A_239 = arith.addi %mul3A_237, %add3A_238 : i32
        %dma_start3A_240 = arith.constant 768 : i32
        %dma_start3A_241 = arith.constant 0 : i32
        %dma_start3A_242 = tpu.memref_slice %arg7[%dma_start3A_240, %dma_start3A_241] : memref<896x32xf32, #tpu.memory_space<vmem>> -> memref<128x32xf32, #tpu.memory_space<vmem>>
        %dma_start3A_243 = arith.constant 0 : i32
        %dma_start3A_244 = tpu.memref_slice %arg5[%add3A_239, %dma_start3A_243] : memref<196x128xi32, #tpu.memory_space<vmem>> -> memref<1x128xi32, #tpu.memory_space<vmem>>
        %dma_start3A_245 = tpu.memref_squeeze %dma_start3A_244 : memref<1x128xi32, #tpu.memory_space<vmem>> -> memref<128xi32, #tpu.memory_space<vmem>>
        %dma_start3A_246 = arith.constant 0 : i32
        %dma_start3A_247 = arith.constant 0 : i32
        %dma_start3A_248 = tpu.memref_slice %arg2[%dma_start3A_246, %dma_start3A_247] : memref<1000000x32xf32, #tpu.memory_space<hbm>> -> memref<1000000x32xf32, #tpu.memory_space<hbm>>
        tpu.enqueue_indirect_dma source(%dma_start3A_248 : memref<1000000x32xf32, #tpu.memory_space<hbm>>) target(%dma_start3A_242 : memref<128x32xf32, #tpu.memory_space<vmem>>) offsets(%dma_start3A_245 : memref<128xi32, #tpu.memory_space<vmem>>) semaphore(%arg9 : memref<!tpu.dma_semaphore, #tpu.memory_space<semaphore_mem>>)
      } else {
      }
      %mul3A_127 = arith.constant 2 : i32
      %mul3A_128 = arith.muli %add3A_101, %mul3A_127 : i32
      %add3A_129 = arith.constant 1 : i32
      %add3A_130 = arith.addi %mul3A_128, %add3A_129 : i32
      %dma_wait3A_131 = arith.constant 0 : i32
      %dma_wait3A_132 = arith.constant 0 : i32
      %dma_wait3A_133 = tpu.memref_slice %arg4[%dma_wait3A_131, %dma_wait3A_132] : memref<802816x32xf32, #tpu.memory_space<hbm>> -> memref<896x32xf32, #tpu.memory_space<hbm>>
      %dma_wait3A_134 = arith.constant 0 : i32
      %dma_wait3A_135 = arith.constant 0 : i32
      %dma_wait3A_136 = tpu.memref_slice %arg4[%dma_wait3A_134, %dma_wait3A_135] : memref<802816x32xf32, #tpu.memory_space<hbm>> -> memref<896x32xf32, #tpu.memory_space<hbm>>
      tpu.wait_dma2 semaphore(%arg9 : memref<!tpu.dma_semaphore, #tpu.memory_space<semaphore_mem>>) src(%dma_wait3A_136 : memref<896x32xf32, #tpu.memory_space<hbm>>) dst(%arg7 : memref<896x32xf32, #tpu.memory_space<vmem>>)
      %mul3A_137 = arith.constant 896 : i32
      %mul3A_138 = arith.muli %add3A_130, %mul3A_137 : i32
      %add3A_139 = arith.addi %select_n3A, %mul3A_138 : i32
      %dma_start3A_140 = arith.constant 0 : i32
      %dma_start3A_141 = tpu.memref_slice %arg4[%add3A_139, %dma_start3A_140] : memref<802816x32xf32, #tpu.memory_space<hbm>> -> memref<896x32xf32, #tpu.memory_space<hbm>>
      %dma_start3A_142 = arith.constant 0 : i32
      %dma_start3A_143 = tpu.memref_slice %arg4[%add3A_139, %dma_start3A_142] : memref<802816x32xf32, #tpu.memory_space<hbm>> -> memref<896x32xf32, #tpu.memory_space<hbm>>
      tpu.enqueue_dma source(%arg7 : memref<896x32xf32, #tpu.memory_space<vmem>>) target(%dma_start3A_143 : memref<896x32xf32, #tpu.memory_space<hbm>>) target_semaphore(%arg11 : memref<!tpu.dma_semaphore, #tpu.memory_space<semaphore_mem>>)
      %ge3A_144 = arith.constant 1 : i32
      %ge3A_145 = arith.cmpi sge, %add3A_130, %ge3A_144 : i32
      %convert_element_type3A_146 = arith.extui %ge3A_145 : i1 to i32
      %cond3A_147 = arith.constant 0 : i32
      %cond3A_148 = arith.cmpi ne, %convert_element_type3A_146, %cond3A_147 : i32
      scf.if %cond3A_148 {
        %sub3A_156 = arith.constant 1 : i32
        %sub3A_157 = arith.subi %add3A_130, %sub3A_156 : i32
        %mul3A_158 = arith.constant 896 : i32
        %mul3A_159 = arith.muli %sub3A_157, %mul3A_158 : i32
        %add3A_160 = arith.addi %select_n3A, %mul3A_159 : i32
        %dma_wait3A_161 = arith.constant 0 : i32
        %dma_wait3A_162 = tpu.memref_slice %arg4[%add3A_160, %dma_wait3A_161] : memref<802816x32xf32, #tpu.memory_space<hbm>> -> memref<896x32xf32, #tpu.memory_space<hbm>>
        %dma_wait3A_163 = arith.constant 0 : i32
        %dma_wait3A_164 = tpu.memref_slice %arg4[%add3A_160, %dma_wait3A_163] : memref<802816x32xf32, #tpu.memory_space<hbm>> -> memref<896x32xf32, #tpu.memory_space<hbm>>
        tpu.wait_dma2 semaphore(%arg10 : memref<!tpu.dma_semaphore, #tpu.memory_space<semaphore_mem>>) src(%arg6 : memref<896x32xf32, #tpu.memory_space<vmem>>) dst(%dma_wait3A_164 : memref<896x32xf32, #tpu.memory_space<hbm>>)
      } else {
      }
      %add3A_149 = arith.constant 1 : i32
      %add3A_150 = arith.addi %add3A_130, %add3A_149 : i32
      %lt3A_151 = arith.constant 28 : i32
      %lt3A_152 = arith.cmpi slt, %add3A_150, %lt3A_151 : i32
      %convert_element_type3A_153 = arith.extui %lt3A_152 : i1 to i32
      %cond3A_154 = arith.constant 0 : i32
      %cond3A_155 = arith.cmpi ne, %convert_element_type3A_153, %cond3A_154 : i32
      scf.if %cond3A_155 {
        %add3A_156 = arith.constant 1 : i32
        %add3A_157 = arith.addi %add3A_130, %add3A_156 : i32
        %mul3A_158 = arith.constant 7 : i32
        %mul3A_159 = arith.muli %add3A_157, %mul3A_158 : i32
        %add3A_160 = arith.constant 0 : i32
        %add3A_161 = arith.addi %mul3A_159, %add3A_160 : i32
        %dma_start3A_162 = arith.constant 0 : i32
        %dma_start3A_163 = arith.constant 0 : i32
        %dma_start3A_164 = tpu.memref_slice %arg6[%dma_start3A_162, %dma_start3A_163] : memref<896x32xf32, #tpu.memory_space<vmem>> -> memref<128x32xf32, #tpu.memory_space<vmem>>
        %dma_start3A_165 = arith.constant 0 : i32
        %dma_start3A_166 = tpu.memref_slice %arg5[%add3A_161, %dma_start3A_165] : memref<196x128xi32, #tpu.memory_space<vmem>> -> memref<1x128xi32, #tpu.memory_space<vmem>>
        %dma_start3A_167 = tpu.memref_squeeze %dma_start3A_166 : memref<1x128xi32, #tpu.memory_space<vmem>> -> memref<128xi32, #tpu.memory_space<vmem>>
        %dma_start3A_168 = arith.constant 0 : i32
        %dma_start3A_169 = arith.constant 0 : i32
        %dma_start3A_170 = tpu.memref_slice %arg2[%dma_start3A_168, %dma_start3A_169] : memref<1000000x32xf32, #tpu.memory_space<hbm>> -> memref<1000000x32xf32, #tpu.memory_space<hbm>>
        tpu.enqueue_indirect_dma source(%dma_start3A_170 : memref<1000000x32xf32, #tpu.memory_space<hbm>>) target(%dma_start3A_164 : memref<128x32xf32, #tpu.memory_space<vmem>>) offsets(%dma_start3A_167 : memref<128xi32, #tpu.memory_space<vmem>>) semaphore(%arg8 : memref<!tpu.dma_semaphore, #tpu.memory_space<semaphore_mem>>)
        %mul3A_171 = arith.constant 7 : i32
        %mul3A_172 = arith.muli %add3A_157, %mul3A_171 : i32
        %add3A_173 = arith.constant 1 : i32
        %add3A_174 = arith.addi %mul3A_172, %add3A_173 : i32
        %dma_start3A_175 = arith.constant 128 : i32
        %dma_start3A_176 = arith.constant 0 : i32
        %dma_start3A_177 = tpu.memref_slice %arg6[%dma_start3A_175, %dma_start3A_176] : memref<896x32xf32, #tpu.memory_space<vmem>> -> memref<128x32xf32, #tpu.memory_space<vmem>>
        %dma_start3A_178 = arith.constant 0 : i32
        %dma_start3A_179 = tpu.memref_slice %arg5[%add3A_174, %dma_start3A_178] : memref<196x128xi32, #tpu.memory_space<vmem>> -> memref<1x128xi32, #tpu.memory_space<vmem>>
        %dma_start3A_180 = tpu.memref_squeeze %dma_start3A_179 : memref<1x128xi32, #tpu.memory_space<vmem>> -> memref<128xi32, #tpu.memory_space<vmem>>
        %dma_start3A_181 = arith.constant 0 : i32
        %dma_start3A_182 = arith.constant 0 : i32
        %dma_start3A_183 = tpu.memref_slice %arg2[%dma_start3A_181, %dma_start3A_182] : memref<1000000x32xf32, #tpu.memory_space<hbm>> -> memref<1000000x32xf32, #tpu.memory_space<hbm>>
        tpu.enqueue_indirect_dma source(%dma_start3A_183 : memref<1000000x32xf32, #tpu.memory_space<hbm>>) target(%dma_start3A_177 : memref<128x32xf32, #tpu.memory_space<vmem>>) offsets(%dma_start3A_180 : memref<128xi32, #tpu.memory_space<vmem>>) semaphore(%arg8 : memref<!tpu.dma_semaphore, #tpu.memory_space<semaphore_mem>>)
        %mul3A_184 = arith.constant 7 : i32
        %mul3A_185 = arith.muli %add3A_157, %mul3A_184 : i32
        %add3A_186 = arith.constant 2 : i32
        %add3A_187 = arith.addi %mul3A_185, %add3A_186 : i32
        %dma_start3A_188 = arith.constant 256 : i32
        %dma_start3A_189 = arith.constant 0 : i32
        %dma_start3A_190 = tpu.memref_slice %arg6[%dma_start3A_188, %dma_start3A_189] : memref<896x32xf32, #tpu.memory_space<vmem>> -> memref<128x32xf32, #tpu.memory_space<vmem>>
        %dma_start3A_191 = arith.constant 0 : i32
        %dma_start3A_192 = tpu.memref_slice %arg5[%add3A_187, %dma_start3A_191] : memref<196x128xi32, #tpu.memory_space<vmem>> -> memref<1x128xi32, #tpu.memory_space<vmem>>
        %dma_start3A_193 = tpu.memref_squeeze %dma_start3A_192 : memref<1x128xi32, #tpu.memory_space<vmem>> -> memref<128xi32, #tpu.memory_space<vmem>>
        %dma_start3A_194 = arith.constant 0 : i32
        %dma_start3A_195 = arith.constant 0 : i32
        %dma_start3A_196 = tpu.memref_slice %arg2[%dma_start3A_194, %dma_start3A_195] : memref<1000000x32xf32, #tpu.memory_space<hbm>> -> memref<1000000x32xf32, #tpu.memory_space<hbm>>
        tpu.enqueue_indirect_dma source(%dma_start3A_196 : memref<1000000x32xf32, #tpu.memory_space<hbm>>) target(%dma_start3A_190 : memref<128x32xf32, #tpu.memory_space<vmem>>) offsets(%dma_start3A_193 : memref<128xi32, #tpu.memory_space<vmem>>) semaphore(%arg8 : memref<!tpu.dma_semaphore, #tpu.memory_space<semaphore_mem>>)
        %mul3A_197 = arith.constant 7 : i32
        %mul3A_198 = arith.muli %add3A_157, %mul3A_197 : i32
        %add3A_199 = arith.constant 3 : i32
        %add3A_200 = arith.addi %mul3A_198, %add3A_199 : i32
        %dma_start3A_201 = arith.constant 384 : i32
        %dma_start3A_202 = arith.constant 0 : i32
        %dma_start3A_203 = tpu.memref_slice %arg6[%dma_start3A_201, %dma_start3A_202] : memref<896x32xf32, #tpu.memory_space<vmem>> -> memref<128x32xf32, #tpu.memory_space<vmem>>
        %dma_start3A_204 = arith.constant 0 : i32
        %dma_start3A_205 = tpu.memref_slice %arg5[%add3A_200, %dma_start3A_204] : memref<196x128xi32, #tpu.memory_space<vmem>> -> memref<1x128xi32, #tpu.memory_space<vmem>>
        %dma_start3A_206 = tpu.memref_squeeze %dma_start3A_205 : memref<1x128xi32, #tpu.memory_space<vmem>> -> memref<128xi32, #tpu.memory_space<vmem>>
        %dma_start3A_207 = arith.constant 0 : i32
        %dma_start3A_208 = arith.constant 0 : i32
        %dma_start3A_209 = tpu.memref_slice %arg2[%dma_start3A_207, %dma_start3A_208] : memref<1000000x32xf32, #tpu.memory_space<hbm>> -> memref<1000000x32xf32, #tpu.memory_space<hbm>>
        tpu.enqueue_indirect_dma source(%dma_start3A_209 : memref<1000000x32xf32, #tpu.memory_space<hbm>>) target(%dma_start3A_203 : memref<128x32xf32, #tpu.memory_space<vmem>>) offsets(%dma_start3A_206 : memref<128xi32, #tpu.memory_space<vmem>>) semaphore(%arg8 : memref<!tpu.dma_semaphore, #tpu.memory_space<semaphore_mem>>)
        %mul3A_210 = arith.constant 7 : i32
        %mul3A_211 = arith.muli %add3A_157, %mul3A_210 : i32
        %add3A_212 = arith.constant 4 : i32
        %add3A_213 = arith.addi %mul3A_211, %add3A_212 : i32
        %dma_start3A_214 = arith.constant 512 : i32
        %dma_start3A_215 = arith.constant 0 : i32
        %dma_start3A_216 = tpu.memref_slice %arg6[%dma_start3A_214, %dma_start3A_215] : memref<896x32xf32, #tpu.memory_space<vmem>> -> memref<128x32xf32, #tpu.memory_space<vmem>>
        %dma_start3A_217 = arith.constant 0 : i32
        %dma_start3A_218 = tpu.memref_slice %arg5[%add3A_213, %dma_start3A_217] : memref<196x128xi32, #tpu.memory_space<vmem>> -> memref<1x128xi32, #tpu.memory_space<vmem>>
        %dma_start3A_219 = tpu.memref_squeeze %dma_start3A_218 : memref<1x128xi32, #tpu.memory_space<vmem>> -> memref<128xi32, #tpu.memory_space<vmem>>
        %dma_start3A_220 = arith.constant 0 : i32
        %dma_start3A_221 = arith.constant 0 : i32
        %dma_start3A_222 = tpu.memref_slice %arg2[%dma_start3A_220, %dma_start3A_221] : memref<1000000x32xf32, #tpu.memory_space<hbm>> -> memref<1000000x32xf32, #tpu.memory_space<hbm>>
        tpu.enqueue_indirect_dma source(%dma_start3A_222 : memref<1000000x32xf32, #tpu.memory_space<hbm>>) target(%dma_start3A_216 : memref<128x32xf32, #tpu.memory_space<vmem>>) offsets(%dma_start3A_219 : memref<128xi32, #tpu.memory_space<vmem>>) semaphore(%arg8 : memref<!tpu.dma_semaphore, #tpu.memory_space<semaphore_mem>>)
        %mul3A_223 = arith.constant 7 : i32
        %mul3A_224 = arith.muli %add3A_157, %mul3A_223 : i32
        %add3A_225 = arith.constant 5 : i32
        %add3A_226 = arith.addi %mul3A_224, %add3A_225 : i32
        %dma_start3A_227 = arith.constant 640 : i32
        %dma_start3A_228 = arith.constant 0 : i32
        %dma_start3A_229 = tpu.memref_slice %arg6[%dma_start3A_227, %dma_start3A_228] : memref<896x32xf32, #tpu.memory_space<vmem>> -> memref<128x32xf32, #tpu.memory_space<vmem>>
        %dma_start3A_230 = arith.constant 0 : i32
        %dma_start3A_231 = tpu.memref_slice %arg5[%add3A_226, %dma_start3A_230] : memref<196x128xi32, #tpu.memory_space<vmem>> -> memref<1x128xi32, #tpu.memory_space<vmem>>
        %dma_start3A_232 = tpu.memref_squeeze %dma_start3A_231 : memref<1x128xi32, #tpu.memory_space<vmem>> -> memref<128xi32, #tpu.memory_space<vmem>>
        %dma_start3A_233 = arith.constant 0 : i32
        %dma_start3A_234 = arith.constant 0 : i32
        %dma_start3A_235 = tpu.memref_slice %arg2[%dma_start3A_233, %dma_start3A_234] : memref<1000000x32xf32, #tpu.memory_space<hbm>> -> memref<1000000x32xf32, #tpu.memory_space<hbm>>
        tpu.enqueue_indirect_dma source(%dma_start3A_235 : memref<1000000x32xf32, #tpu.memory_space<hbm>>) target(%dma_start3A_229 : memref<128x32xf32, #tpu.memory_space<vmem>>) offsets(%dma_start3A_232 : memref<128xi32, #tpu.memory_space<vmem>>) semaphore(%arg8 : memref<!tpu.dma_semaphore, #tpu.memory_space<semaphore_mem>>)
        %mul3A_236 = arith.constant 7 : i32
        %mul3A_237 = arith.muli %add3A_157, %mul3A_236 : i32
        %add3A_238 = arith.constant 6 : i32
        %add3A_239 = arith.addi %mul3A_237, %add3A_238 : i32
        %dma_start3A_240 = arith.constant 768 : i32
        %dma_start3A_241 = arith.constant 0 : i32
        %dma_start3A_242 = tpu.memref_slice %arg6[%dma_start3A_240, %dma_start3A_241] : memref<896x32xf32, #tpu.memory_space<vmem>> -> memref<128x32xf32, #tpu.memory_space<vmem>>
        %dma_start3A_243 = arith.constant 0 : i32
        %dma_start3A_244 = tpu.memref_slice %arg5[%add3A_239, %dma_start3A_243] : memref<196x128xi32, #tpu.memory_space<vmem>> -> memref<1x128xi32, #tpu.memory_space<vmem>>
        %dma_start3A_245 = tpu.memref_squeeze %dma_start3A_244 : memref<1x128xi32, #tpu.memory_space<vmem>> -> memref<128xi32, #tpu.memory_space<vmem>>
        %dma_start3A_246 = arith.constant 0 : i32
        %dma_start3A_247 = arith.constant 0 : i32
        %dma_start3A_248 = tpu.memref_slice %arg2[%dma_start3A_246, %dma_start3A_247] : memref<1000000x32xf32, #tpu.memory_space<hbm>> -> memref<1000000x32xf32, #tpu.memory_space<hbm>>
        tpu.enqueue_indirect_dma source(%dma_start3A_248 : memref<1000000x32xf32, #tpu.memory_space<hbm>>) target(%dma_start3A_242 : memref<128x32xf32, #tpu.memory_space<vmem>>) offsets(%dma_start3A_245 : memref<128xi32, #tpu.memory_space<vmem>>) semaphore(%arg8 : memref<!tpu.dma_semaphore, #tpu.memory_space<semaphore_mem>>)
      } else {
      }
    }
    %scan3A_91 = arith.constant 14 : i32
    %add3A_92 = arith.constant 24192 : i32
    %add3A_93 = arith.addi %select_n3A, %add3A_92 : i32
    %dma_wait3A = arith.constant 0 : i32
    %dma_wait3A_94 = tpu.memref_slice %arg4[%add3A_93, %dma_wait3A] : memref<802816x32xf32, #tpu.memory_space<hbm>> -> memref<896x32xf32, #tpu.memory_space<hbm>>
    %dma_wait3A_95 = arith.constant 0 : i32
    %dma_wait3A_96 = tpu.memref_slice %arg4[%add3A_93, %dma_wait3A_95] : memref<802816x32xf32, #tpu.memory_space<hbm>> -> memref<896x32xf32, #tpu.memory_space<hbm>>
    tpu.wait_dma2 semaphore(%arg11 : memref<!tpu.dma_semaphore, #tpu.memory_space<semaphore_mem>>) src(%arg7 : memref<896x32xf32, #tpu.memory_space<vmem>>) dst(%dma_wait3A_96 : memref<896x32xf32, #tpu.memory_space<hbm>>)
    return
  }
}

</mosaic_0001>

<sc_bundles>
// kernel: _sc_gather.3.cloned.1.call-start
scs
__scs_entry_jumppad:
0x0: {  	(pc) =	sbr.rel $0x88, $3  }
0x1: {  	(tag) =	ssettag $0x0;
	lr =	simm.s32 $0x1  }
0x2: {  	[smem:$0x3F9F] =	sst lr;
	_ =	strace $0xD0000000  }
0x3: {  	_ = 	snop  }
0x4: {  	_ = 	snop  }
0x5: {  	_ = 	snop  }
0x6: {  	_ = 	snop  }
0x7: {  	_ = 	snop  }
__scs_overlays_trampoline_lowered:
0x8: {  	[smem:$0x3FAE] =	sst s0  }
0x9: {  	[smem:$0x3FAF] =	sst s1  }
0xa: {  	[smem:$0x3FB0] =	sst s2  }
0xb: {  	[smem:$0x3FB1] =	sst s3  }
0xc: {  	[smem:$0x3FB2] =	sst s4  }
0xd: {  	[smem:$0x3FB3] =	sst s5  }
0xe: {  	[smem:$0x3FB4] =	sst s6  }
0xf: {  	[smem:$0x3FB5] =	sst s7  }
0x10: {  	[smem:$0x3FB6] =	sst s8  }
0x11: {  	[smem:$0x3FB7] =	sst s9;
	s0 =	simm.s32 @!p0 $0x0  }
0x12: {  	s1 =	sld [smem:$0x3F9D];
	s0 =	simm.s32 @p0 $0x1  }
0x13: {  	[smem:$0x3FB8] =	sst s0;
	s0 =	simm.s32 @!p1 $0x0  }
0x14: {  	s2 =	sld [smem:$0x3F9C];
	s0 =	simm.s32 @p1 $0x1  }
0x15: {  	[smem:$0x3FB9] =	sst s0;
	s0 =	simm.s32 @!p2 $0x0  }
0x16: {  	s3 =	sld [smem:$0x3FDB];
	s0 =	simm.s32 @p2 $0x1  }
0x17: {  	s4 =	simm.s32 $0x1BF5;
	[smem:$0x3FBB] =	sst s0  }
0x18: {  	s0 =	sld [smem:$0x3F9E];
	_ =	swait.ge [sflag:s4], $0x0  }
0x19: {  	s7 =	sld [smem:$0x3F9F]  }
0x1a: {  	s8 =	sadd.s32 $0xFFFFE003, lr  }
0x1b: {  	s9 =	sadd.s32 $0xFFFFFEF7, lr;
	s5 =	simm.s32 $0xFFFFFFFF;
	p2 =	slt.u32 s8, $0xFFFFF086  }
0x1c: {  	p1 =	slt.u32 s9, $0xF7A;
	s5 =	simm.s32 @!p2 $0x0  }
0x1d: {  	s5 =	simm.s32 @p1 $0x1;
	p0 =	seq.s32 s7, s2  }
0x1e: {  	s7 =	smul.u32 @!p0 $0xF7A, s2;
	p2 =	seq.s32 @!p0 s5, $0x0  }
0x1f: {  	s9 =	smul.u32 $0xF7A, s1;
	s8 =	simm.s32 @!p0 $0x1BF5;
	p2 =	por !p2, p0  }
0x20: {  	[sflag:s8] =	ssyncset.s32 @!p0 $0xFFFFF086;
	s6 =	sadd.s32 @!p0 s3, s7;
	s7 =	simm.s32 @!p0 $0x108  }
0x21: {  	s3 =	sadd.s32 s3, s9;
	s6 =	sadd.s32 @!p0 $0x88, s6;
	s7 =	simm.s32 @p2 $0x1082  }
0x22: {  	[simem:s7], [sflag:s8] =	dma.local @!p0 [hbm:s6], $0xF7A  }
0x23: {  	s9 =	sor.u32 $0xD0000000, s2;
	s6 =	simm.s32 $0x108;
	_ =	swait.ge @!p0 [sflag:s8], $0x0  }
0x24: {  	s3 =	sadd.s32 $0x88, s3;
	s6 =	simm.s32 @!p1 $0x1082;
	[sflag:s4] =	ssyncset.s32 $0xFFFFF086  }
0x25: {  	[simem:s6], [sflag:s4] =	dma.local [hbm:s3], $0xF7A  }
0x26: {  	[smem:$0x3F9F] =	sst s1;
	(tag) =	ssettag s2;
	_ =	strace s9  }
0x27: {  	s1 =	sld [smem:$0x3FAF]  }
0x28: {  	s2 =	sld [smem:$0x3FB0]  }
0x29: {  	s4 =	sld [smem:$0x3FB2]  }
0x2a: {  	p0 =	seq.s32 s5, $0x0;
	s5 =	sld [smem:$0x3FB3]  }
0x2b: {  	s6 =	sld [smem:$0x3FB4]  }
0x2c: {  	s7 =	sld [smem:$0x3FB5]  }
0x2d: {  	s3 =	simm.s32 $0x108;
	s8 =	sld [smem:$0x3FB6]  }
0x2e: {  	s3 =	simm.s32 @!p0 $0x1082;
	s9 =	sld [smem:$0x3FB7]  }
0x2f: {  	lr =	sadd.s32 s0, s3;
	s0 =	sld [smem:$0x3FAE]  }
0x30: {  	s3 =	sld [smem:$0x3FB1]  }
0x31: {  	[smem:$0x3FBA] =	sst s10  }
0x32: {  	s10 =	sld [smem:$0x3FB8];
	_ =	sdelay $0x3  }
0x33: {  	p0 =	seq.s32 s10, $0x1;
	s10 =	sld [smem:$0x3FBA];
	_ =	sdelay $0x3  }
0x34: {  	[smem:$0x3FBA] =	sst s10  }
0x35: {  	s10 =	sld [smem:$0x3FB9];
	_ =	sdelay $0x3  }
0x36: {  	p1 =	seq.s32 s10, $0x1;
	s10 =	sld [smem:$0x3FBA];
	_ =	sdelay $0x3  }
0x37: {  	[smem:$0x3FBA] =	sst s10  }
0x38: {  	s10 =	sld [smem:$0x3FBB]  }
0x39: {  	_ = 	snop;
	(pc) =	sbr.ind lr, $3  }
0x3a: {  	_ = 	snop  }
0x3b: {  	_ = 	snop  }
0x3c: {  	p2 =	seq.s32 s10, $0x1;
	s10 =	sld [smem:$0x3FBA]  }
0x3d: {  	_ =	shalt  }
0x3e: {  	_ =	shalt  }
0x3f: {  	_ =	shalt  }
0x40: {  	_ =	shalt  }
0x41: {  	_ =	shalt  }
0x42: {  	_ =	shalt  }
0x43: {  	_ =	shalt  }
0x44: {  	_ =	shalt  }
0x45: {  	_ =	shalt  }
0x46: {  	_ =	shalt  }
0x47: {  	_ =	shalt  }
0x48: {  	_ =	shalt  }
0x49: {  	_ =	shalt  }
0x4a: {  	_ =	shalt  }
0x4b: {  	_ =	shalt  }
0x4c: {  	_ =	shalt  }
0x4d: {  	_ =	shalt  }
0x4e: {  	_ =	shalt  }
0x4f: {  	_ =	shalt  }
0x50: {  	_ =	shalt  }
0x51: {  	_ =	shalt  }
0x52: {  	_ =	shalt  }
0x53: {  	_ =	shalt  }
0x54: {  	_ =	shalt  }
0x55: {  	_ =	shalt  }
0x56: {  	_ =	shalt  }
0x57: {  	_ =	shalt  }
0x58: {  	_ =	shalt  }
0x59: {  	_ =	shalt  }
0x5a: {  	_ =	shalt  }
0x5b: {  	_ =	shalt  }
0x5c: {  	_ =	shalt  }
0x5d: {  	_ =	shalt  }
0x5e: {  	_ =	shalt  }
0x5f: {  	_ =	shalt  }
0x60: {  	_ =	shalt  }
0x61: {  	_ =	shalt  }
0x62: {  	_ =	shalt  }
0x63: {  	_ =	shalt  }
0x64: {  	_ =	shalt  }
0x65: {  	_ =	shalt  }
0x66: {  	_ =	shalt  }
0x67: {  	_ =	shalt  }
0x68: {  	_ =	shalt  }
0x69: {  	_ =	shalt  }
0x6a: {  	_ =	shalt  }
0x6b: {  	_ =	shalt  }
0x6c: {  	_ =	shalt  }
0x6d: {  	_ =	shalt  }
0x6e: {  	_ =	shalt  }
0x6f: {  	_ =	shalt  }
0x70: {  	_ =	shalt  }
0x71: {  	_ =	shalt  }
0x72: {  	_ =	shalt  }
0x73: {  	_ =	shalt  }
0x74: {  	_ =	shalt  }
0x75: {  	_ =	shalt  }
0x76: {  	_ =	shalt  }
0x77: {  	_ =	shalt  }
0x78: {  	_ =	shalt  }
0x79: {  	_ =	shalt  }
0x7a: {  	_ =	shalt  }
0x7b: {  	_ =	shalt  }
0x7c: {  	_ =	shalt  }
0x7d: {  	_ =	shalt  }
0x7e: {  	_ =	shalt  }
0x7f: {  	_ =	shalt  }
0x80: {  	_ =	shalt  }
0x81: {  	_ =	shalt  }
0x82: {  	_ =	shalt  }
0x83: {  	_ =	shalt  }
0x84: {  	_ =	shalt  }
0x85: {  	_ =	shalt  }
0x86: {  	_ =	shalt  }
0x87: {  	_ =	shalt  }
.Lfunc_end0:
.L_simem_size_0:
called_computation.1_lowered:
.L_overlay_start_0:
0x88: {  	s2 =	sld [smem:$0x3FD9]  }
0x89: {  	s3 =	sld [smem:$0x3FFE];
	_ =	sdelay $0x1  }
0x8a: {  	s1 =	srdreg.scid  }
0x8b: {  	s0 =	sand.u32 $0x1, s1  }
0x8c: {  	s17 =	sshll.u32 s0, $0xA;
	s2 =	sadd.s32 s3, s2  }
0x8d: {  	s2 =	sadd.s32 s2, s17  }
0x8e: {  	[smem:$0x3FC6] =	sst s2  }
0x8f: {  	_ = 	snop  }
0x90: {  	s2 =	sld [smem:$0x3FD0];
	(tm) =	ssettm $0x1  }
0x91: {  	s18 =	sld [smem:$0x3FFB];
	_ =	sdelay $0x3  }
0x92: {  	_ =	strace s18  }
0x93: {  	s3 =	sld [smem:$0x3FFC];
	_ =	sdelay $0x3  }
0x94: {  	_ =	strace s3  }
0x95: {  	s3 =	sld [smem:$0x3FFD];
	_ =	sdelay $0x3  }
0x96: {  	_ =	strace s3  }
0x97: {  	_ =	strace $0x8FFFFFFF  }
0x98: {  	s19 =	sld [smem:$0x3FDB];
	_ =	sdelay $0x1  }
0x99: {  	s4 =	simm.s32 $_scs_section_size  }
0x9a: {  	s5 =	simm.s32 $_size__tile_overlayer_lowered;
	s6 =	simm.s32 $_tile_overlayer_lowered  }
0x9b: {  	s22 =	simm.s32 $0x1BFF;
	s21 =	sshll.u32 s6, $0x1;
	s3 =	sadd.s32 s4, s19  }
0x9c: {  	s7 =	simm.s32 $0x0;
	s20 =	sshll.u32 s5, $0x1;
	s5 =	sadd.s32 s21, s3  }
0x9d: {  	[timem:s7], [sflag:s22] =	dma.local [hbm:s5], s20  }
0x9e: {  	_ =	swait.ge [sflag:s22], s20  }
0x9f: {  	s4 =	ssub.s32 $0x0, s20;
	[sflag:s22] =	ssyncset.done $0x0  }
0xa0: {  	[sflag:s22] =	ssyncadd.s32 s4;
	_ =	sdelay $0x1  }
0xa1: {  	s23 =	simm.s32 $0x1B8B  }
0xa2: {  	_ =	swait.ge [sflag:s23], $0x1  }
0xa3: {  	[sflag:s23] =	ssyncset.done $0x0  }
0xa4: {  	s25 =	simm.s32 $0x1B8E;
	s24 =	sld [smem:$0x3FFE];
	[sflag:s23] =	ssyncadd.s32 $0xFFFFFFFF  }
0xa5: {  	s26 =	simm.s32 $execute0_lowered;
	[smem:$0x3FD2] =	sst s25  }
0xa6: {  	s5 =	sshll.u32 s26, $0x1;
	_ =	strace $0x80000046;
	[dreg:$0x1] =	wrdreg $0xFFFFFFFF  }
0xa7: {  	s28 =	simm.s32 $_size_execute0_lowered;
	s3 =	sadd.s32 s3, s5;
	[dreg:$0x0] =	wrdreg $0x0  }
0xa8: {  	s5 =	sshll.u32 s28, $0x1;
	[dreg:$0x2] =	wrdreg s3  }
0xa9: {  	[dreg:$0x3] =	wrdreg s5  }
0xaa: {  	[dreg:$0x4] =	wrdreg $0xC0  }
0xab: {  	_ =	task [dreg:s7], $0x5FFFF  }
0xac: {  	[dreg:$0x1] =	wrdreg $0xFFFFFFFF  }
0xad: {  	[dreg:$0x0] =	wrdreg $0x60  }
0xae: {  	[dreg:$0x2] =	wrdreg s24  }
0xaf: {  	[dreg:$0x3] =	wrdreg s2  }
0xb0: {  	[dreg:$0x4] =	wrdreg $0x9  }
0xb1: {  	_ =	task.clear_ibuf [dreg:s7], $0x5FFFF;
	_ =	strace $0x90000046  }
0xb2: {  	s29 =	simm.s32 $0x9;
	_ =	strace $0x80000048  }
0xb3: {  	_ =	swait.ge [sflag:s29], $0x1  }
0xb4: {  	[sflag:s29] =	ssyncadd.s32 $0xFFFFFFFF  }
0xb5: {  	_ =	strace $0x90000048  }
0xb6: {  	_ =	sfence  }
0xb7: {  	s30 =	sld [smem:$0x0];
	_ =	sdelay $0x2  }
0xb8: {  	s31 =	sshll.u32 s1, $0xD;
	s1 =	sshrl.u32 s1, $0x2  }
0xb9: {  	s3 =	sand.u32 $0x4000, s31;
	s1 =	sadd.s32 s1, s30  }
0xba: {  	s0 =	sor.u32 s3, s0;
	s1 =	sshll.u32 s1, $0x11  }
0xbb: {  	s0 =	sor.u32 s1, s0  }
0xbc: {  	s0 =	sadd.s32 $0x8F2B, s0  }
0xbd: {  	[sflag:s0] =	ssyncadd.remote.s32 $0x1  }
0xbe: {  	_ =	sfence.sel $0xFFFF  }
0xbf: {  	[dreg:$0x0] =	wrdreg $0xFFFFFFFF;
	(pc) =	sbr.abs _section_cstart, $3  }
0xc0: {  	[dreg:$0x1] =	wrdreg $0xFFFFFFFF  }
0xc1: {  	_ =	task.clear_ibuf [dreg:s7], $0x2FFFF;
	_ =	strace $0x9FFFFFFF  }
0xc2: {  	(tm) =	ssettm $0x7FFFFFFF  }
0xc3: {  	_ =	shalt  }
tec
execute0_lowered:
.L_overlay_start_1:
0x0: {  	(tag) =	ssettag $0x1  }
0x1: {  	s0 =	rddreg [dreg:$0x0]  }
0x2: {  	s1 =	srdreg.scid;
	s8 =	stileid.u32  }
0x3: {  	s7 =	rddreg [dreg:$0x1];
	s2 =	simm.s32 $0x0;
	s9 =	simm.s32 $0x5  }
0x4: {  	s10 =	simm.s32 $0x80;
	s11 =	simm.s32 $0x6200;
	s12 =	simm.s32 $0x7200  }
0x5: {  	s14 =	simm.s32 $0x8200;
	s16 =	simm.s32 $0x9200;
	s18 =	simm.s32 $0xA200  }
0x6: {  	s20 =	simm.s32 $0xB200;
	s22 =	simm.s32 $0xC200;
	s23 =	simm.s32 $0x1  }
0x7: {  	s25 =	simm.s32 $0xD200;
	s28 =	simm.s32 $0xE200;
	s30 =	simm.s32 $0xF200  }
0x8: {  	s13 =	simm.s32 $0x11200;
	s17 =	simm.s32 $0x12200;
	s21 =	simm.s32 $0x13200  }
0x9: {  	s24 =	simm.s32 $0x2;
	s15 =	simm.s32 $0x0;
	s1 =	sand.u32 $0x1, s1  }
0xa: {  	s3 =	sshll.u32 s8, $0x1;
	[smem:$0x7FF] =	sst s2;
	s8 =	smul.u32 $0xC400, s8  }
0xb: {  	s3 =	sor.u32 s1, s3;
	_ =	strace $0x80000047;
	s29 =	smul.u32 $0x6200, s1  }
0xc: {  	s5 =	ssub.s32 $0x2, s1;
	s1 =	simm.s32 $0x10200;
	s6 =	smul.u32 $0x6200, s3  }
.Ltmp0:
0xd: {  	s3 =	sadd.s32 $0xF42E00, s0;
	s26 =	sshrl.u32 s5, $0x1;
	(pc) =	sbr.rel .LBB2_1-.Ltmp0, $4  }
0xe: {  	s31 =	sadd.s32 s8, s7;
	s5 =	ssub.s32 s5, s26;
	s4 =	sshrl.u32 s6, $0x3  }
0xf: {  	s8 =	sadd.s32 s29, s31;
	s26 =	simm.s32 $0x3;
	s0 =	sadd.s32 s4, s0  }
0x10: {  	s5 =	smax.u32 s5, $0x1;
	s6 =	sadd.s32 s7, s6;
	s0 =	sadd.s32 $0xA00, s0  }
0x11: {  	s7 =	sadd.s32 $0xE00, s6;
	[dreg:$0x3] =	wrdreg s0;
	s0 =	simm.s32 $0x4  }
.LBB2_4:
0x12: {  	s15 =	sadd.s32 $0x1, s15  }
0x13: {  	p0 =	sne.s32 s15, s5  }
.Ltmp1:
0x14: {  	_ = 	snop;
	(pc) =	sbr.rel @!p0 .LBB2_5-.Ltmp1, $4  }
0x15: {  	_ = 	snop  }
0x16: {  	_ =	swait.ge [sflag:s0], $0x7000  }
0x17: {  	[sflag:s0] =	ssyncset.done $0x0  }
0x18: {  	[sflag:s0] =	ssyncadd.s32 $0xFFFF9000  }
.LBB2_1:
0x19: {  	s4 =	rddreg [dreg:$0x3]  }
0x1a: {  	[tilespmem:s2], [sflag:$0x5] =	stream.linear.gather [hbm4b:s4+s2], $0x6200, $0x38;
	[tilespmem:$0x14200] =	vst v63  }
0x1b: {  	_ =	swait.ge [sflag:s9], $0x6200  }
0x1c: {  	[sflag:s9] =	ssyncset.done $0x0  }
0x1d: {  	[sflag:s9] =	ssyncadd.s32 $0xFFFF9E00  }
0x1e: {  	[tilespmem:s11], [sflag:$0x1] =	stream.indirect.gather [hbm4b:s3+s10], $0x20, s2, s10, $0xb8;
	[tilespmem:$0x14200] =	vst v63  }
0x1f: {  	_ = 	snop  }
0x20: {  	[tilespmem:s12], [sflag:$0x1] =	stream.indirect.gather [hbm4b:s3+s10], $0x20, s10, s10, $0xb8;
	[tilespmem:$0x14200] =	vst v63  }
0x21: {  	s31 =	simm.s32 $0x100  }
0x22: {  	[tilespmem:s14], [sflag:$0x1] =	stream.indirect.gather [hbm4b:s3+s10], $0x20, s31, s10, $0xb8;
	[tilespmem:$0x14200] =	vst v63  }
0x23: {  	s19 =	simm.s32 $0x180  }
0x24: {  	[tilespmem:s16], [sflag:$0x1] =	stream.indirect.gather [hbm4b:s3+s10], $0x20, s19, s10, $0xb8;
	[tilespmem:$0x14200] =	vst v63  }
0x25: {  	s29 =	simm.s32 $0x200  }
0x26: {  	[tilespmem:s18], [sflag:$0x1] =	stream.indirect.gather [hbm4b:s3+s10], $0x20, s29, s10, $0xb8;
	[tilespmem:$0x14200] =	vst v63  }
0x27: {  	s31 =	simm.s32 $0x280  }
0x28: {  	[tilespmem:s20], [sflag:$0x1] =	stream.indirect.gather [hbm4b:s3+s10], $0x20, s31, s10, $0xb8;
	[tilespmem:$0x14200] =	vst v63  }
0x29: {  	s19 =	simm.s32 $0x300  }
0x2a: {  	[tilespmem:s22], [sflag:$0x1] =	stream.indirect.gather [hbm4b:s3+s10], $0x20, s19, s10, $0xb8;
	[tilespmem:$0x14200] =	vst v63  }
0x2b: {  	_ =	swait.ge [sflag:s23], $0x7000  }
0x2c: {  	[sflag:s23] =	ssyncset.done $0x0  }
0x2d: {  	[sflag:s23] =	ssyncadd.s32 $0xFFFF9000  }
0x2e: {  	[hbm4b:s6+s2] =	stream.linear.scatter [tilespmem:s11], [sflag:$0x3], $0x7000, $0x38;
	[tilespmem:$0x14200] =	vst v63  }
0x2f: {  	s29 =	simm.s32 $0x380  }
0x30: {  	[tilespmem:s25], [sflag:$0x2] =	stream.indirect.gather [hbm4b:s3+s10], $0x20, s29, s10, $0xb8;
	[tilespmem:$0x14200] =	vst v63  }
0x31: {  	s31 =	simm.s32 $0x400  }
0x32: {  	[tilespmem:s28], [sflag:$0x2] =	stream.indirect.gather [hbm4b:s3+s10], $0x20, s31, s10, $0xb8;
	[tilespmem:$0x14200] =	vst v63  }
0x33: {  	s19 =	simm.s32 $0x480  }
0x34: {  	[tilespmem:s30], [sflag:$0x2] =	stream.indirect.gather [hbm4b:s3+s10], $0x20, s19, s10, $0xb8;
	[tilespmem:$0x14200] =	vst v63  }
0x35: {  	s29 =	simm.s32 $0x500  }
0x36: {  	[tilespmem:s1], [sflag:$0x2] =	stream.indirect.gather [hbm4b:s3+s10], $0x20, s29, s10, $0xb8;
	[tilespmem:$0x14200] =	vst v63  }
0x37: {  	s31 =	simm.s32 $0x580  }
0x38: {  	[tilespmem:s13], [sflag:$0x2] =	stream.indirect.gather [hbm4b:s3+s10], $0x20, s31, s10, $0xb8;
	[tilespmem:$0x14200] =	vst v63  }
0x39: {  	s19 =	simm.s32 $0x600  }
0x3a: {  	[tilespmem:s17], [sflag:$0x2] =	stream.indirect.gather [hbm4b:s3+s10], $0x20, s19, s10, $0xb8;
	[tilespmem:$0x14200] =	vst v63  }
0x3b: {  	s29 =	simm.s32 $0x680  }
0x3c: {  	[tilespmem:s21], [sflag:$0x2] =	stream.indirect.gather [hbm4b:s3+s10], $0x20, s29, s10, $0xb8;
	[tilespmem:$0x14200] =	vst v63  }
0x3d: {  	_ =	swait.ge [sflag:s24], $0x7000  }
0x3e: {  	[sflag:s24] =	ssyncset.done $0x0  }
0x3f: {  	[sflag:s24] =	ssyncadd.s32 $0xFFFF9000  }
0x40: {  	[hbm4b:s7+s2] =	stream.linear.scatter [tilespmem:s25], [sflag:$0x4], $0x7000, $0x38;
	[tilespmem:$0x14200] =	vst v63  }
0x41: {  	_ =	swait.ge [sflag:s26], $0x7000  }
0x42: {  	[sflag:s26] =	ssyncset.done $0x0  }
0x43: {  	s31 =	simm.s32 $0x700;
	[sflag:s26] =	ssyncadd.s32 $0xFFFF9000  }
0x44: {  	[tilespmem:s11], [sflag:$0x1] =	stream.indirect.gather [hbm4b:s3+s10], $0x20, s31, s10, $0xb8;
	[tilespmem:$0x14200] =	vst v63  }
0x45: {  	s19 =	simm.s32 $0x780  }
0x46: {  	[tilespmem:s12], [sflag:$0x1] =	stream.indirect.gather [hbm4b:s3+s10], $0x20, s19, s10, $0xb8;
	[tilespmem:$0x14200] =	vst v63  }
0x47: {  	s29 =	simm.s32 $0x800  }
0x48: {  	[tilespmem:s14], [sflag:$0x1] =	stream.indirect.gather [hbm4b:s3+s10], $0x20, s29, s10, $0xb8;
	[tilespmem:$0x14200] =	vst v63  }
0x49: {  	s31 =	simm.s32 $0x880  }
0x4a: {  	[tilespmem:s16], [sflag:$0x1] =	stream.indirect.gather [hbm4b:s3+s10], $0x20, s31, s10, $0xb8;
	[tilespmem:$0x14200] =	vst v63  }
0x4b: {  	s19 =	simm.s32 $0x900  }
0x4c: {  	[tilespmem:s18], [sflag:$0x1] =	stream.indirect.gather [hbm4b:s3+s10], $0x20, s19, s10, $0xb8;
	[tilespmem:$0x14200] =	vst v63  }
0x4d: {  	s29 =	simm.s32 $0x980  }
0x4e: {  	[tilespmem:s20], [sflag:$0x1] =	stream.indirect.gather [hbm4b:s3+s10], $0x20, s29, s10, $0xb8;
	[tilespmem:$0x14200] =	vst v63  }
0x4f: {  	s31 =	simm.s32 $0xA00;
	s19 =	simm.s32 $0x0  }
0x50: {  	[tilespmem:s22], [sflag:$0x1] =	stream.indirect.gather [hbm4b:s3+s10], $0x20, s31, s10, $0xb8;
	[tilespmem:$0x14200] =	vst v63  }
.LBB2_2:
0x51: {  	_ =	swait.ge [sflag:s23], $0x7000  }
0x52: {  	s31 =	sadd.s32 s19, s8;
	[sflag:s23] =	ssyncset.done $0x0  }
0x53: {  	s29 =	sadd.s32 $0x1C00, s31;
	[sflag:s23] =	ssyncadd.s32 $0xFFFF9000  }
0x54: {  	[hbm4b:s29+s2] =	stream.linear.scatter [tilespmem:s11], [sflag:$0x3], $0x7000, $0x38;
	[tilespmem:$0x14200] =	vst v63  }
0x55: {  	_ =	swait.ge [sflag:s0], $0x7000  }
0x56: {  	s29 =	sshra.s32 s19, $0x2;
	[sflag:s0] =	ssyncset.done $0x0  }
0x57: {  	s4 =	sadd.s32 $0xA80, s29;
	[sflag:s0] =	ssyncadd.s32 $0xFFFF9000  }
0x58: {  	[tilespmem:s25], [sflag:$0x2] =	stream.indirect.gather [hbm4b:s3+s10], $0x20, s4, s10, $0xb8;
	[tilespmem:$0x14200] =	vst v63  }
0x59: {  	s4 =	sadd.s32 $0xB00, s29  }
0x5a: {  	[tilespmem:s28], [sflag:$0x2] =	stream.indirect.gather [hbm4b:s3+s10], $0x20, s4, s10, $0xb8;
	[tilespmem:$0x14200] =	vst v63  }
0x5b: {  	s4 =	sadd.s32 $0xB80, s29  }
0x5c: {  	[tilespmem:s30], [sflag:$0x2] =	stream.indirect.gather [hbm4b:s3+s10], $0x20, s4, s10, $0xb8;
	[tilespmem:$0x14200] =	vst v63  }
0x5d: {  	s4 =	sadd.s32 $0xC00, s29  }
0x5e: {  	[tilespmem:s1], [sflag:$0x2] =	stream.indirect.gather [hbm4b:s3+s10], $0x20, s4, s10, $0xb8;
	[tilespmem:$0x14200] =	vst v63  }
0x5f: {  	s4 =	sadd.s32 $0xC80, s29  }
0x60: {  	[tilespmem:s13], [sflag:$0x2] =	stream.indirect.gather [hbm4b:s3+s10], $0x20, s4, s10, $0xb8;
	[tilespmem:$0x14200] =	vst v63  }
0x61: {  	s4 =	sadd.s32 $0xD00, s29  }
0x62: {  	[tilespmem:s17], [sflag:$0x2] =	stream.indirect.gather [hbm4b:s3+s10], $0x20, s4, s10, $0xb8;
	[tilespmem:$0x14200] =	vst v63  }
0x63: {  	s4 =	sadd.s32 $0xD80, s29  }
0x64: {  	[tilespmem:s21], [sflag:$0x2] =	stream.indirect.gather [hbm4b:s3+s10], $0x20, s4, s10, $0xb8;
	[tilespmem:$0x14200] =	vst v63  }
0x65: {  	_ =	swait.ge [sflag:s24], $0x7000  }
0x66: {  	p0 =	seq.s32 s19, $0x15000;
	[sflag:s24] =	ssyncset.done $0x0  }
.Ltmp2:
0x67: {  	s31 =	sadd.s32 $0x2A00, s31;
	[sflag:s24] =	ssyncadd.s32 $0xFFFF9000;
	(pc) =	sbr.rel @p0 .LBB2_4-.Ltmp2, $4  }
0x68: {  	[hbm4b:s31+s2] =	stream.linear.scatter [tilespmem:s25], [sflag:$0x4], $0x7000, $0x38;
	[tilespmem:$0x14200] =	vst v63  }
0x69: {  	_ =	swait.ge [sflag:s26], $0x7000  }
0x6a: {  	[sflag:s26] =	ssyncset.done $0x0  }
0x6b: {  	[sflag:s26] =	ssyncadd.s32 $0xFFFF9000  }
0x6c: {  	s4 =	sadd.s32 $0xE00, s29  }
0x6d: {  	[tilespmem:s11], [sflag:$0x1] =	stream.indirect.gather [hbm4b:s3+s10], $0x20, s4, s10, $0xb8;
	[tilespmem:$0x14200] =	vst v63  }
0x6e: {  	s31 =	sadd.s32 $0xE80, s29  }
0x6f: {  	[tilespmem:s12], [sflag:$0x1] =	stream.indirect.gather [hbm4b:s3+s10], $0x20, s31, s10, $0xb8;
	[tilespmem:$0x14200] =	vst v63  }
0x70: {  	s31 =	sadd.s32 $0xF00, s29  }
0x71: {  	[tilespmem:s14], [sflag:$0x1] =	stream.indirect.gather [hbm4b:s3+s10], $0x20, s31, s10, $0xb8;
	[tilespmem:$0x14200] =	vst v63  }
0x72: {  	s31 =	sadd.s32 $0xF80, s29  }
0x73: {  	[tilespmem:s16], [sflag:$0x1] =	stream.indirect.gather [hbm4b:s3+s10], $0x20, s31, s10, $0xb8;
	[tilespmem:$0x14200] =	vst v63  }
0x74: {  	s31 =	sadd.s32 $0x1000, s29  }
0x75: {  	[tilespmem:s18], [sflag:$0x1] =	stream.indirect.gather [hbm4b:s3+s10], $0x20, s31, s10, $0xb8;
	[tilespmem:$0x14200] =	vst v63  }
.Ltmp3:
0x76: {  	_ = 	snop;
	(pc) =	sbr.rel .LBB2_2-.Ltmp3, $4  }
0x77: {  	s31 =	sadd.s32 $0x1080, s29  }
0x78: {  	[tilespmem:s20], [sflag:$0x1] =	stream.indirect.gather [hbm4b:s3+s10], $0x20, s31, s10, $0xb8;
	[tilespmem:$0x14200] =	vst v63  }
0x79: {  	s19 =	sadd.s32 $0x1C00, s19;
	s31 =	sadd.s32 $0x1100, s29  }
0x7a: {  	[tilespmem:s22], [sflag:$0x1] =	stream.indirect.gather [hbm4b:s3+s10], $0x20, s31, s10, $0xb8;
	[tilespmem:$0x14200] =	vst v63  }
.LBB2_5:
0x7b: {  	_ =	sfence.sel $0x180000  }
0x7c: {  	[bflag:$0x0] =	sbarrier.arrive $0xFFFF  }
0x7d: {  	_ =	strace $0x90000047  }
0x7e: {  	s0 =	stileid.u32;
	[bflag:$0x2] =	sbarrier.arrive $0xFFFF  }
0x7f: {  	p0 =	sne.s32 s0, $0x0;
	s0 =	rddreg [dreg:$0x2]  }
0x80: {  	s0 =	sadd.s32 @!p0 $0x100000, s0  }
0x81: {  	[sflag:s0] =	ssyncadd.tile.s32 @!p0 $0x1;
	_ =	shalt  }
.Lfunc_end2:
_tile_overlayer_lowered:
.L_overlay_start_2:
0x82: {  	(tag) =	ssettag $0x2  }
0x83: {  	s0 =	rddreg [dreg:$0x0];
	s2 =	stileid.u32  }
0x84: {  	s1 =	rddreg [dreg:$0x1];
	p0 =	sne.s32 s2, $0x0  }
0x85: {  	s3 =	rddreg [dreg:$0x2];
	[bflag:$0x3] =	sbarrier.arrive $0xFFFF;
	s2 =	simm.s32 @!p0 $0x1C05  }
0x86: {  	[timem:s3], [sflag:s2] =	dma.local @!p0 [hbm:s0], s1  }
0x87: {  	s0 =	simm.s32 @!p0 $0x5  }
0x88: {  	_ =	swait.ge @!p0 [sflag:s0], s1  }
0x89: {  	s1 =	ssub.s32 @!p0 $0x0, s1;
	[sflag:s0] =	ssyncset.done @!p0 $0x0  }
0x8a: {  	[sflag:s0] =	ssyncadd.s32 @!p0 s1  }
0x8b: {  	[bflag:$0x3] =	sbarrier.arrive $0xFFFF  }
0x8c: {  	_ =	shalt  }

// kernel: sparse-core-data-format-call.cloned.1.call-start
scs
called_computation_lowered:
.L_overlay_start_0:
0x0: {  	s2 =	sld [smem:$0x3FD9]  }
0x1: {  	s3 =	sld [smem:$0x3FFE];
	_ =	sdelay $0x1  }
0x2: {  	s1 =	srdreg.scid  }
0x3: {  	s0 =	sand.u32 $0x1, s1  }
0x4: {  	s18 =	sshll.u32 s0, $0xA;
	s2 =	sadd.s32 s3, s2  }
0x5: {  	s2 =	sadd.s32 s2, s18  }
0x6: {  	[smem:$0x3FC6] =	sst s2  }
0x7: {  	_ = 	snop  }
0x8: {  	s2 =	sld [smem:$0x3FD0];
	(tm) =	ssettm $0x1  }
0x9: {  	s19 =	sld [smem:$0x3FFB];
	_ =	sdelay $0x3  }
0xa: {  	_ =	strace s19  }
0xb: {  	s3 =	sld [smem:$0x3FFC];
	_ =	sdelay $0x3  }
0xc: {  	_ =	strace s3  }
0xd: {  	s3 =	sld [smem:$0x3FFD];
	_ =	sdelay $0x3  }
0xe: {  	_ =	strace s3  }
0xf: {  	_ =	strace $0x8FFFFFFF  }
0x10: {  	s20 =	sld [smem:$0x3FDB];
	_ =	sdelay $0x1  }
0x11: {  	s4 =	simm.s32 $_scs_section_size  }
0x12: {  	s5 =	simm.s32 $_size__tile_overlayer_lowered;
	s6 =	simm.s32 $_tile_overlayer_lowered  }
0x13: {  	s23 =	simm.s32 $0x1BFF;
	s22 =	sshll.u32 s6, $0x1;
	s3 =	sadd.s32 s4, s20  }
0x14: {  	s7 =	simm.s32 $0x0;
	s21 =	sshll.u32 s5, $0x1;
	s5 =	sadd.s32 s22, s3  }
0x15: {  	[timem:s7], [sflag:s23] =	dma.local [hbm:s5], s21  }
0x16: {  	_ =	swait.ge [sflag:s23], s21  }
0x17: {  	s4 =	ssub.s32 $0x0, s21;
	[sflag:s23] =	ssyncset.done $0x0  }
0x18: {  	[sflag:s23] =	ssyncadd.s32 s4;
	_ =	sdelay $0x1  }
0x19: {  	s24 =	simm.s32 $0x1B8B  }
0x1a: {  	_ =	swait.ge [sflag:s24], $0x1  }
0x1b: {  	[sflag:s24] =	ssyncset.done $0x0  }
0x1c: {  	s26 =	simm.s32 $0x1B8E;
	s25 =	sld [smem:$0x3FFE];
	[sflag:s24] =	ssyncadd.s32 $0xFFFFFFFF  }
0x1d: {  	s27 =	simm.s32 $execute0_lowered;
	[smem:$0x3FD2] =	sst s26  }
0x1e: {  	s5 =	sshll.u32 s27, $0x1;
	_ =	strace $0x80000049;
	[dreg:$0x1] =	wrdreg $0xFFFFFFFF  }
0x1f: {  	s28 =	simm.s32 $_size_execute0_lowered;
	s3 =	sadd.s32 s3, s5;
	[dreg:$0x0] =	wrdreg $0x0  }
0x20: {  	s5 =	sshll.u32 s28, $0x1;
	[dreg:$0x2] =	wrdreg s3  }
0x21: {  	[dreg:$0x3] =	wrdreg s5  }
0x22: {  	[dreg:$0x4] =	wrdreg $0xC0  }
0x23: {  	_ =	task [dreg:s7], $0x5FFFF  }
0x24: {  	[dreg:$0x1] =	wrdreg $0xFFFFFFFF  }
0x25: {  	[dreg:$0x0] =	wrdreg $0x60  }
0x26: {  	[dreg:$0x2] =	wrdreg s25  }
0x27: {  	[dreg:$0x3] =	wrdreg s2  }
0x28: {  	[dreg:$0x4] =	wrdreg $0x9  }
0x29: {  	_ =	task.clear_ibuf [dreg:s7], $0x5FFFF;
	_ =	strace $0x90000049  }
0x2a: {  	s29 =	simm.s32 $0x9;
	_ =	strace $0x8000004B  }
0x2b: {  	_ =	swait.ge [sflag:s29], $0x1  }
0x2c: {  	[sflag:s29] =	ssyncadd.s32 $0xFFFFFFFF  }
0x2d: {  	_ =	strace $0x9000004B  }
0x2e: {  	_ =	sfence  }
0x2f: {  	s30 =	sld [smem:$0x0];
	_ =	sdelay $0x2  }
0x30: {  	s31 =	sshll.u32 s1, $0xD;
	s1 =	sshrl.u32 s1, $0x2  }
0x31: {  	s3 =	sand.u32 $0x4000, s31;
	s1 =	sadd.s32 s1, s30  }
0x32: {  	s0 =	sor.u32 s3, s0;
	s1 =	sshll.u32 s1, $0x11  }
0x33: {  	s0 =	sor.u32 s1, s0  }
0x34: {  	s0 =	sadd.s32 $0x8F2B, s0  }
0x35: {  	[sflag:s0] =	ssyncadd.remote.s32 $0x1  }
0x36: {  	_ =	sfence.sel $0xFFFF  }
0x37: {  	[dreg:$0x0] =	wrdreg $0xFFFFFFFF;
	(pc) =	sbr.abs _section_cstart, $3  }
0x38: {  	[dreg:$0x1] =	wrdreg $0xFFFFFFFF  }
0x39: {  	_ =	task.clear_ibuf [dreg:s7], $0x2FFFF;
	_ =	strace $0x9FFFFFFF  }
0x3a: {  	(tm) =	ssettm $0x7FFFFFFF  }
0x3b: {  	_ =	shalt  }
tec
execute0_lowered:
.L_overlay_start_1:
0x0: {  	(tag) =	ssettag $0x1  }
0x1: {  	s0 =	srdreg.scid  }
0x2: {  	s1 =	sshll.u32 s0, $0x4  }
0x3: {  	s4 =	rddreg [dreg:$0x0];
	s0 =	stileid.u32;
	s1 =	sand.u32 $0x10, s1  }
0x4: {  	s2 =	rddreg [dreg:$0x1];
	s7 =	simm.s32 $0x1;
	s1 =	sor.u32 s0, s1  }
0x5: {  	s8 =	simm.s32 $0x2;
	s11 =	simm.s32 $0x0;
	s3 =	sshll.u32 s1, $0x7  }
0x6: {  	s10 =	simm.s32 $0x0;
	s4 =	sadd.s32 $0xA00, s4;
	s6 =	ssub.s32 $0xC4000, s3  }
.Ltmp0:
0x7: {  	s1 =	rddreg [dreg:$0x2];
	s5 =	sand.u32 $0xF80, s6;
	(pc) =	sbr.rel .LBB1_1-.Ltmp0, $4  }
0x8: {  	_ =	strace $0x8000004A;
	s9 =	smov.u32 s3;
	p0 =	sne.s32 s5, $0x0  }
0x9: {  	s6 =	sshrl.u32 s6, $0xC;
	s5 =	simm.s32 $0x1;
	s7 =	simm.s32 @!p0 $0x0  }
0xa: {  	[sflag:s5] =	ssyncpa.u1 $0x0;
	p0 =	por $0x0, $0x0;
	s6 =	sadd.s32 s7, s6  }
0xb: {  	[sflag:s8] =	ssyncpa.u1 $0x0;
	s8 =	simm.s32 $0x620000;
	s7 =	sadd.s32 $0x1, s6  }
.LBB1_4:
0xc: {  	s14 =	sshll.u32 s11, $0x3  }
0xd: {  	s30 =	sand.u32 $0x7F, s11;
	s15 =	sand.u32 $0xFFFFFC00, s14  }
0xe: {  	s11 =	sor.u32 s30, s15  }
0xf: {  	s15 =	smulhi.u32 $0x5397829D, s11  }
0x10: {  	s14 =	smulhi.u32 $0x5397829D, s14  }
0x11: {  	s15 =	sshrl.u32 s15, $0x12  }
0x12: {  	s14 =	sshrl.u32 s14, $0x12;
	s15 =	smul.u32 $0xC4000, s15  }
0x13: {  	s14 =	sand.u32 $0x1F, s14  }
0x14: {  	s14 =	smul.u32 $0x18800, s14;
	s11 =	ssub.s32 s11, s15  }
0x15: {  	s15 =	sand.u32 $0x7, s11  }
0x16: {  	s14 =	sadd.s32 s2, s14;
	s11 =	sshrl.u32 s11, $0x3;
	s15 =	sshll.u32 s15, $0x12  }
0x17: {  	[tilespmem:s13+$0x0 ss:$0x81] =	vst.msk $0xffff, v0;
	s11 =	sadd.s32 s11, s14;
	s31 =	sor.u32 $0x400, s15  }
0x18: {  	[hbm4b:s11+s31] =	stream.strided.scatter [tilespmem:s12], [sflag:$0x2], $0x1000, s8, s31, $0x20;
	[tilespmem:$0x4040] =	vst v63  }
.LBB1_5:
0x19: {  	s13 =	sadd.s32 $0x1000, s9  }
0x1a: {  	p2 =	sgt.s32 s13, $0xC3FFF  }
0x1b: {  	s13 =	smov.u32 @p2 s3;
	p2 =	sne.s32 s10, s7  }
.Ltmp1:
0x1c: {  	p1 =	slt.u32 s10, $0x2;
	(pc) =	sbr.rel @!p2 .LBB1_6-.Ltmp1, $4  }
0x1d: {  	s12 =	simm.s32 @!p1 $0x2  }
0x1e: {  	s14 =	sadd.s32 $0x1, s10;
	_ =	swait.ge @!p1 [sflag:s12], $0x1000  }
0x1f: {  	s11 =	smov.u32 s9;
	p0 =	por !p0, !p0;
	[sflag:s12] =	ssyncset.done @!p1 $0x0  }
0x20: {  	s10 =	smov.u32 s14;
	s9 =	smov.u32 s13;
	[sflag:s12] =	ssyncadd.s32 @!p1 $0xFFFFF000  }
.LBB1_1:
0x21: {  	p1 =	sge.u32 s10, s6  }
0x22: {  	s12 =	sand.u32 @!p1 $0x1FFFFFF, s9  }
0x23: {  	s13 =	smulhi.u32 @!p1 $0x14E5E0B, s12;
	_ =	sdelay $0x1  }
0x24: {  	s13 =	sshrl.u32 @!p1 s13, $0xC  }
0x25: {  	s13 =	smul.u32 @!p1 $0xC4000, s13;
	_ =	sdelay $0x1  }
0x26: {  	s31 =	sadd.s32 $0xFFFFFFFF, s10;
	s14 =	sxor.u32 @!p1 $0xFFFFFFFF, s10;
	s12 =	ssub.s32 @!p1 s12, s13  }
0x27: {  	s15 =	simm.s32 @!p1 $0x80;
	s14 =	sshll.u32 @!p1 s14, $0xC;
	s12 =	sshll.u32 @!p1 s12, $0x4  }
0x28: {  	s13 =	sand.u32 @!p1 $0x1000, s14;
	s14 =	simm.s32 @!p1 $0x20;
	s12 =	sadd.s32 @!p1 s4, s12  }
0x29: {  	[tilespmem:s13], [sflag:$0x1] =	stream.strided.gather @!p1 [hbm4b:s12+s14], $0x1000, s15, s14, $0x38;
	[tilespmem:$0x4040] =	vst v63  }
0x2a: {  	p1 =	sge.u32 s31, s6  }
.Ltmp2:
0x2b: {  	_ = 	snop;
	(pc) =	sbr.rel @p1 .LBB1_5-.Ltmp2, $1  }
0x2c: {  	_ =	sdelay $0x3  }
0x2d: {  	s12 =	simm.s32 $0x1  }
0x2e: {  	_ =	swait.ge [sflag:s5], $0x1000;
	s12 =	simm.s32 @!p0 $0x0  }
0x2f: {  	[sflag:s5] =	ssyncset.done $0x0;
	s13 =	sshll.u32 s12, $0xC  }
0x30: {  	[sflag:s5] =	ssyncadd.s32 $0xFFFFF000;
	s16 =	sor.u32 $0x10, s13  }
0x31: {  	s12 =	smul.u32 $0x4080, s12;
	v1 =	vld [tilespmem:s16+$0x0]  }
0x32: {  	s30 =	sand.u32 $0x1, s10;
	v0 =	vld [tilespmem:s16+$0xFFFFFFF0]  }
0x33: {  	s13 =	smul.u32 $0x4080, s30;
	s12 =	sshrl.u32 s12, $0x2  }
0x34: {  	s14 =	sor.u32 $0x2000, s12  }
0x35: {  	s31 =	sshrl.u32 s13, $0x2;
	s13 =	sadd.s32 $0x0, s14  }
0x36: {  	s15 =	simm.s32 $0x4;
	s16 =	sadd.s32 $0x20, s16;
	s12 =	sor.u32 $0x2000, s31;
	[tilespmem:s13+$0x810 ss:$0x81] =	vst.msk $0xffff, v1  }
.LBB1_3:
0x37: {  	v1 =	vld [tilespmem:s16+$0x0];
	p1 =	sne.s32 s15, $0x1FC;
	[tilespmem:s13+$0x0 ss:$0x81] =	vst.msk $0xffff, v0;
	s13 =	smov.u32 s15;
	s15 =	sadd.s32 $0x4, s15  }
.Ltmp3:
0x38: {  	v0 =	vld [tilespmem:s16+$0xFFFFFFF0];
	(pc) =	sbr.rel @p1 .LBB1_3-.Ltmp3, $4  }
0x39: {  	_ = 	snop  }
0x3a: {  	s13 =	sshra.s32 s13, $0x2  }
0x3b: {  	s13 =	sadd.s32 s13, s14  }
0x3c: {  	s16 =	sadd.s32 $0x20, s16;
	[tilespmem:s13+$0x810 ss:$0x81] =	vst.msk $0xffff, v1  }
.Ltmp4:
0x3d: {  	_ = 	snop;
	(pc) =	sbr.rel .LBB1_4-.Ltmp4, $1  }
0x3e: {  	_ =	sdelay $0x3  }
.LBB1_6:
0x3f: {  	_ =	sfence.sel $0x180000  }
0x40: {  	s2 =	simm.s32 $0x1;
	[bflag:$0x0] =	sbarrier.arrive $0xFFFF  }
0x41: {  	s31 =	simm.s32 $0x2;
	[sflag:s2] =	ssyncpa.u1 $0x1  }
0x42: {  	[sflag:s31] =	ssyncpa.u1 $0x1  }
0x43: {  	p0 =	sne.s32 s0, $0x0;
	_ =	strace $0x9000004A  }
0x44: {  	s0 =	sadd.s32 @!p0 $0x100000, s1;
	[bflag:$0x2] =	sbarrier.arrive $0xFFFF  }
0x45: {  	[sflag:s0] =	ssyncadd.tile.s32 @!p0 $0x1;
	_ =	shalt  }
.Lfunc_end1:
_tile_overlayer_lowered:
.L_overlay_start_2:
0x46: {  	(tag) =	ssettag $0x2  }
0x47: {  	s0 =	rddreg [dreg:$0x0];
	s2 =	stileid.u32  }
0x48: {  	s1 =	rddreg [dreg:$0x1];
	p0 =	sne.s32 s2, $0x0  }
0x49: {  	s3 =	rddreg [dreg:$0x2];
	[bflag:$0x3] =	sbarrier.arrive $0xFFFF;
	s2 =	simm.s32 @!p0 $0x1C01  }
0x4a: {  	[timem:s3], [sflag:s2] =	dma.local @!p0 [hbm:s0], s1  }
0x4b: {  	s0 =	simm.s32 @!p0 $0x1  }
0x4c: {  	_ =	swait.ge @!p0 [sflag:s0], s1  }
0x4d: {  	s1 =	ssub.s32 @!p0 $0x0, s1;
	[sflag:s0] =	ssyncset.done @!p0 $0x0  }
0x4e: {  	[sflag:s0] =	ssyncadd.s32 @!p0 s1  }
0x4f: {  	[bflag:$0x3] =	sbarrier.arrive $0xFFFF  }
0x50: {  	_ =	shalt  }

</sc_bundles>
